<compile_context>
chip_gen: v7x
topology: tpu7x:2x2x1
jax: 0.10.2.dev20260603
libtpu: 0.0.44.dev20260713+nightly
codegen_flags: <defaults>
</compile_context>

<pallas_src>
import jax
import jax.numpy as jnp
from jax import lax
from jax.experimental import pallas as pl
from jax.experimental.pallas import tpu as pltpu
from jax.experimental.pallas import tpu_sc as plsc

B = 4096
L = 50
D = 64
NC, NS = 2, 16
NW = NC * NS
N = B * L
PER_W = N // NW

PCHUNK = 64
NPCHUNK = PER_W // PCHUNK
PRING = 4
NITER = NPCHUNK // PRING

RCHUNK = 64
NRCHUNK = PER_W // RCHUNK
RRING = 4
R_PER_ITER = NRCHUNK // NITER

REL_V = 1000

def _body(pos_idx_hbm, rel_idx_hbm, pos_tab_hbm, rel_tab_hbm,
          pos_out_hbm, rel_out_hbm,
          pidx_v, ridx_v, pbuf, rbuf,
          gsems, wsems, rgsems, rwsem):
    wid = lax.axis_index("s") * NC + lax.axis_index("c")
    base = wid * PER_W
    lane = jnp.arange(16, dtype=jnp.int32)

    pltpu.sync_copy(pos_idx_hbm.at[wid], pidx_v)
    pltpu.sync_copy(rel_idx_hbm.at[wid], ridx_v)

    def fire_pos_gather(j, r):
        pltpu.async_copy(pos_tab_hbm.at[pidx_v.at[j]], pbuf.at[r],
                         gsems[r])

    def drain_pos_gather(j, r):
        pltpu.make_async_copy(pos_tab_hbm.at[pidx_v.at[j]], pbuf.at[r],
                              gsems[r]).wait()

    def fire_pos_write(j, r):
        pltpu.async_copy(pbuf.at[r],
                         pos_out_hbm.at[pl.ds(base + j * PCHUNK, PCHUNK)],
                         wsems[r])

    def drain_pos_write(j, r):
        pltpu.make_async_copy(pbuf.at[r],
                              pos_out_hbm.at[pl.ds(base + j * PCHUNK, PCHUNK)],
                              wsems[r]).wait()

    def rel_write_desc(j, p):
        return pltpu.make_async_copy(
            rbuf.at[p],
            rel_out_hbm.at[pl.ds(base + j * RCHUNK, RCHUNK)],
            rwsem)

    def fire_rel_gather(j, p):
        pltpu.async_copy(rel_tab_hbm.at[ridx_v.at[j]], rbuf.at[p], rgsems[p])

    def drain_rel_gather(j, p):
        pltpu.make_async_copy(rel_tab_hbm.at[ridx_v.at[j]], rbuf.at[p],
                              rgsems[p]).wait()

    def rel_engine_chunk(j, p):
        @pl.when(j >= RRING)
        def _():
            rel_write_desc(j - RRING, p).wait()
        fire_rel_gather(j, p)

    def rel_engine_finish(j, p):
        drain_rel_gather(j, p)
        pltpu.async_copy(rbuf.at[p],
                         rel_out_hbm.at[pl.ds(base + j * RCHUNK, RCHUNK)],
                         rwsem)

    def body(i, carry):
        for r in range(PRING):
            @pl.when(i > 0)
            def _(r=r):
                drain_pos_write(PRING * (i - 1) + r, r)
            fire_pos_gather(PRING * i + r, r)

        for k in range(R_PER_ITER):
            rel_engine_chunk(R_PER_ITER * i + k, k)

        for r in range(PRING):
            drain_pos_gather(PRING * i + r, r)
            fire_pos_write(PRING * i + r, r)
        for k in range(R_PER_ITER):
            rel_engine_finish(R_PER_ITER * i + k, k)
        return carry

    lax.fori_loop(0, NITER, body, 0)

    for r in range(PRING):
        drain_pos_write(PRING * (NITER - 1) + r, r)
    for p in range(RRING):
        rel_write_desc(NRCHUNK - RRING + p, p).wait()


@jax.jit
def _tree_embedding(position_idx, rel_idx, position_table, relation_table):
    pos_idx = position_idx.reshape(NW, NPCHUNK, PCHUNK).astype(jnp.int32)
    ridx = rel_idx.reshape(NW, NRCHUNK, RCHUNK).astype(jnp.int32)

    mesh = plsc.VectorSubcoreMesh(core_axis_name="c", subcore_axis_name="s")
    kern = pl.kernel(
        _body,
        out_type=(
            jax.ShapeDtypeStruct((N, D), jnp.float32),
            jax.ShapeDtypeStruct((N, D), jnp.float32),
        ),
        mesh=mesh,
        scratch_types=[
            pltpu.VMEM((NPCHUNK, PCHUNK), jnp.int32),
            pltpu.VMEM((NRCHUNK, RCHUNK), jnp.int32),
            pltpu.VMEM((PRING, PCHUNK, D), jnp.float32),
            pltpu.VMEM((RRING, RCHUNK, D), jnp.float32),
            [pltpu.SemaphoreType.DMA] * PRING,
            [pltpu.SemaphoreType.DMA] * PRING,
            [pltpu.SemaphoreType.DMA] * RRING,
            pltpu.SemaphoreType.DMA,
        ],
        compiler_params=pltpu.CompilerParams(use_tc_tiling_on_sc=False,
                                             needs_layout_passes=False),
    )
    pos_out, rel_out = kern(pos_idx, ridx, position_table,
                            relation_table)
    return (rel_out.reshape(B, L, D), pos_out.reshape(B, L, D))


def kernel(position_idx, rel_idx, position_table, relation_table):
    return _tree_embedding(position_idx, rel_idx, position_table,
                           relation_table)

# --- scband reference (transcript-rebuilt; emitter-appended) ---
"""Pipeline reference for scband-tree-embedding-9526237462728 (READ-ONLY COPY).

The authoritative reference and input builder live on the scoring server;
editing this copy changes nothing except your own understanding.
"""

import jax, jax.numpy as jnp
import numpy as np

RP_VOCAB = 100000
REL_VOCAB = 1000
RP_DIM = 64
REL_DIM = 64
B = 4096
L = 50
PAD = 0


def setup_inputs(seed: int = 0) -> dict:
    key = jax.random.key(seed)
    k1, k2, k3, k4 = jax.random.split(key, 4)
    position_idx = jax.random.randint(k1, (B, L), 0, RP_VOCAB, dtype=jnp.int64) if jax.config.jax_enable_x64 else jax.random.randint(k1, (B, L), 0, RP_VOCAB, dtype=jnp.int32)
    rel_idx = jax.random.randint(k2, (B, L), 0, REL_VOCAB, dtype=jnp.int32)
    # xavier-normal-like init for embedding tables, padding row zeroed (padding_idx behavior)
    pos_std = float(np.sqrt(2.0 / (RP_VOCAB + RP_DIM)))
    rel_std = float(np.sqrt(2.0 / (REL_VOCAB + REL_DIM)))
    position_table = jax.random.normal(k3, (RP_VOCAB, RP_DIM), dtype=jnp.float32) * pos_std
    relation_table = jax.random.normal(k4, (REL_VOCAB, REL_DIM), dtype=jnp.float32) * rel_std
    position_table = position_table.at[PAD].set(0.0)
    relation_table = relation_table.at[PAD].set(0.0)
    return {
        "position_idx": position_idx,
        "rel_idx": rel_idx,
        "position_table": position_table,
        "relation_table": relation_table,
    }


def reference(position_idx, rel_idx, position_table, relation_table):
    # Faithful core of TreeEmbedding.forward: the per-graph python loop is
    # flattened into batched index tensors; each graph's arc-relation and
    # node-position indices are embedded via table lookups.
    rel_embeddings = jnp.take(relation_table, rel_idx, axis=0)
    position_embeddings = jnp.take(position_table, position_idx, axis=0)
    return (rel_embeddings, position_embeddings)

if __name__ == "__main__":
    import jax
    _d = setup_inputs()
    print(jax.jit(kernel)(*tuple(_d.values())))

</pallas_src>

<mosaic_0001>
#map = affine_map<(d0, d1) -> (0, 0, 0)>
#map1 = affine_map<(d0, d1) -> (0, 0)>
module attributes {stable_mosaic.version = 14 : i64} {
  func.func @_body(%arg0: i32, %arg1: i32, %arg2: memref<32x100x64xi32, #tpu.memory_space<hbm>>, %arg3: memref<32x100x64xi32, #tpu.memory_space<hbm>>, %arg4: memref<100000x64xf32, #tpu.memory_space<hbm>>, %arg5: memref<1000x64xf32, #tpu.memory_space<hbm>>, %arg6: memref<204800x64xf32, #tpu.memory_space<hbm>>, %arg7: memref<204800x64xf32, #tpu.memory_space<hbm>>, %arg8: memref<100x64xi32, #tpu.memory_space<vmem>>, %arg9: memref<100x64xi32, #tpu.memory_space<vmem>>, %arg10: memref<4x64x64xf32, #tpu.memory_space<vmem>>, %arg11: memref<4x64x64xf32, #tpu.memory_space<vmem>>, %arg12: memref<!tpu.dma_semaphore, #tpu.memory_space<semaphore_mem>>, %arg13: memref<!tpu.dma_semaphore, #tpu.memory_space<semaphore_mem>>, %arg14: memref<!tpu.dma_semaphore, #tpu.memory_space<semaphore_mem>>, %arg15: memref<!tpu.dma_semaphore, #tpu.memory_space<semaphore_mem>>, %arg16: memref<!tpu.dma_semaphore, #tpu.memory_space<semaphore_mem>>, %arg17: memref<!tpu.dma_semaphore, #tpu.memory_space<semaphore_mem>>, %arg18: memref<!tpu.dma_semaphore, #tpu.memory_space<semaphore_mem>>, %arg19: memref<!tpu.dma_semaphore, #tpu.memory_space<semaphore_mem>>, %arg20: memref<!tpu.dma_semaphore, #tpu.memory_space<semaphore_mem>>, %arg21: memref<!tpu.dma_semaphore, #tpu.memory_space<semaphore_mem>>, %arg22: memref<!tpu.dma_semaphore, #tpu.memory_space<semaphore_mem>>, %arg23: memref<!tpu.dma_semaphore, #tpu.memory_space<semaphore_mem>>, %arg24: memref<!tpu.dma_semaphore, #tpu.memory_space<semaphore_mem>>) attributes {dimension_semantics = [#tpu.dimension_semantics<core_parallel>, #tpu.dimension_semantics<subcore_parallel>], iteration_bounds = array<i64: 2, 16>, scalar_prefetch = 0 : i64, scratch_operands = 17 : i64, tpu.core_type = #tpu.core_type<sc_vector_subcore>, window_params = [{transform_indices = #map}, {transform_indices = #map}, {transform_indices = #map1}, {transform_indices = #map1}, {transform_indices = #map1}, {transform_indices = #map1}]} {
    %mul3A = arith.constant 2 : i32
    %mul3A_0 = arith.muli %arg1, %mul3A : i32
    %add3A = arith.addi %mul3A_0, %arg0 : i32
    %mul3A_1 = arith.constant 6400 : i32
    %mul3A_2 = arith.muli %add3A, %mul3A_1 : i32
    %iota3A = tpu.iota {dimensions = array<i32: 0>} : vector<16xi32>
    "tpu.region"() ({
      %run_scoped3A = tpu.sem_alloc : memref<!tpu.dma_semaphore, #tpu.memory_space<semaphore_mem>>
      %dma_start3A = arith.constant 0 : i32
      %dma_start3A_127 = arith.constant 0 : i32
      %dma_start3A_128 = tpu.memref_slice %arg2[%add3A, %dma_start3A, %dma_start3A_127] : memref<32x100x64xi32, #tpu.memory_space<hbm>> -> memref<1x100x64xi32, #tpu.memory_space<hbm>>
      %dma_start3A_129 = tpu.memref_squeeze %dma_start3A_128 : memref<1x100x64xi32, #tpu.memory_space<hbm>> -> memref<100x64xi32, #tpu.memory_space<hbm>>
      %dma_start3A_130 = arith.constant 0 : i32
      %dma_start3A_131 = arith.constant 0 : i32
      %dma_start3A_132 = tpu.memref_slice %arg2[%add3A, %dma_start3A_130, %dma_start3A_131] : memref<32x100x64xi32, #tpu.memory_space<hbm>> -> memref<1x100x64xi32, #tpu.memory_space<hbm>>
      %dma_start3A_133 = tpu.memref_squeeze %dma_start3A_132 : memref<1x100x64xi32, #tpu.memory_space<hbm>> -> memref<100x64xi32, #tpu.memory_space<hbm>>
      tpu.enqueue_dma source(%dma_start3A_133 : memref<100x64xi32, #tpu.memory_space<hbm>>) target(%arg8 : memref<100x64xi32, #tpu.memory_space<vmem>>) target_semaphore(%run_scoped3A : memref<!tpu.dma_semaphore, #tpu.memory_space<semaphore_mem>>)
      %dma_wait3A_134 = arith.constant 0 : i32
      %dma_wait3A_135 = arith.constant 0 : i32
      %dma_wait3A_136 = tpu.memref_slice %arg2[%add3A, %dma_wait3A_134, %dma_wait3A_135] : memref<32x100x64xi32, #tpu.memory_space<hbm>> -> memref<1x100x64xi32, #tpu.memory_space<hbm>>
      %dma_wait3A_137 = tpu.memref_squeeze %dma_wait3A_136 : memref<1x100x64xi32, #tpu.memory_space<hbm>> -> memref<100x64xi32, #tpu.memory_space<hbm>>
      %dma_wait3A_138 = arith.constant 0 : i32
      %dma_wait3A_139 = arith.constant 0 : i32
      %dma_wait3A_140 = tpu.memref_slice %arg2[%add3A, %dma_wait3A_138, %dma_wait3A_139] : memref<32x100x64xi32, #tpu.memory_space<hbm>> -> memref<1x100x64xi32, #tpu.memory_space<hbm>>
      %dma_wait3A_141 = tpu.memref_squeeze %dma_wait3A_140 : memref<1x100x64xi32, #tpu.memory_space<hbm>> -> memref<100x64xi32, #tpu.memory_space<hbm>>
      tpu.wait_dma2 semaphore(%run_scoped3A : memref<!tpu.dma_semaphore, #tpu.memory_space<semaphore_mem>>) src(%dma_wait3A_141 : memref<100x64xi32, #tpu.memory_space<hbm>>) dst(%arg8 : memref<100x64xi32, #tpu.memory_space<vmem>>)
      tpu.yield
    }) : () -> ()
    "tpu.region"() ({
      %run_scoped3A = tpu.sem_alloc : memref<!tpu.dma_semaphore, #tpu.memory_space<semaphore_mem>>
      %dma_start3A = arith.constant 0 : i32
      %dma_start3A_127 = arith.constant 0 : i32
      %dma_start3A_128 = tpu.memref_slice %arg3[%add3A, %dma_start3A, %dma_start3A_127] : memref<32x100x64xi32, #tpu.memory_space<hbm>> -> memref<1x100x64xi32, #tpu.memory_space<hbm>>
      %dma_start3A_129 = tpu.memref_squeeze %dma_start3A_128 : memref<1x100x64xi32, #tpu.memory_space<hbm>> -> memref<100x64xi32, #tpu.memory_space<hbm>>
      %dma_start3A_130 = arith.constant 0 : i32
      %dma_start3A_131 = arith.constant 0 : i32
      %dma_start3A_132 = tpu.memref_slice %arg3[%add3A, %dma_start3A_130, %dma_start3A_131] : memref<32x100x64xi32, #tpu.memory_space<hbm>> -> memref<1x100x64xi32, #tpu.memory_space<hbm>>
      %dma_start3A_133 = tpu.memref_squeeze %dma_start3A_132 : memref<1x100x64xi32, #tpu.memory_space<hbm>> -> memref<100x64xi32, #tpu.memory_space<hbm>>
      tpu.enqueue_dma source(%dma_start3A_133 : memref<100x64xi32, #tpu.memory_space<hbm>>) target(%arg9 : memref<100x64xi32, #tpu.memory_space<vmem>>) target_semaphore(%run_scoped3A : memref<!tpu.dma_semaphore, #tpu.memory_space<semaphore_mem>>)
      %dma_wait3A_134 = arith.constant 0 : i32
      %dma_wait3A_135 = arith.constant 0 : i32
      %dma_wait3A_136 = tpu.memref_slice %arg3[%add3A, %dma_wait3A_134, %dma_wait3A_135] : memref<32x100x64xi32, #tpu.memory_space<hbm>> -> memref<1x100x64xi32, #tpu.memory_space<hbm>>
      %dma_wait3A_137 = tpu.memref_squeeze %dma_wait3A_136 : memref<1x100x64xi32, #tpu.memory_space<hbm>> -> memref<100x64xi32, #tpu.memory_space<hbm>>
      %dma_wait3A_138 = arith.constant 0 : i32
      %dma_wait3A_139 = arith.constant 0 : i32
      %dma_wait3A_140 = tpu.memref_slice %arg3[%add3A, %dma_wait3A_138, %dma_wait3A_139] : memref<32x100x64xi32, #tpu.memory_space<hbm>> -> memref<1x100x64xi32, #tpu.memory_space<hbm>>
      %dma_wait3A_141 = tpu.memref_squeeze %dma_wait3A_140 : memref<1x100x64xi32, #tpu.memory_space<hbm>> -> memref<100x64xi32, #tpu.memory_space<hbm>>
      tpu.wait_dma2 semaphore(%run_scoped3A : memref<!tpu.dma_semaphore, #tpu.memory_space<semaphore_mem>>) src(%dma_wait3A_141 : memref<100x64xi32, #tpu.memory_space<hbm>>) dst(%arg9 : memref<100x64xi32, #tpu.memory_space<vmem>>)
      tpu.yield
    }) : () -> ()
    %scan3A = arith.constant 0 : i32
    %scan3A_3 = arith.constant 0 : i32
    %scan3A_4 = arith.constant 25 : i32
    %scan3A_5 = arith.addi %scan3A_3, %scan3A_4 : i32
    %scan3A_6 = arith.constant 1 : i32
    scf.for %scan3A_127 = %scan3A_3 to %scan3A_5 step %scan3A_6  : i32 {
      %gt3A = arith.constant 0 : i32
      %gt3A_128 = arith.cmpi sgt, %scan3A_127, %gt3A : i32
      %convert_element_type3A = arith.extui %gt3A_128 : i1 to i32
      %cond3A = arith.constant 0 : i32
      %cond3A_129 = arith.cmpi ne, %convert_element_type3A, %cond3A : i32
      scf.if %cond3A_129 {
        %sub3A = arith.constant 1 : i32
        %sub3A_547 = arith.subi %scan3A_127, %sub3A : i32
        %mul3A_548 = arith.constant 4 : i32
        %mul3A_549 = arith.muli %mul3A_548, %sub3A_547 : i32
        %add3A_550 = arith.constant 0 : i32
        %add3A_551 = arith.addi %mul3A_549, %add3A_550 : i32
        %mul3A_552 = arith.constant 64 : i32
        %mul3A_553 = arith.muli %add3A_551, %mul3A_552 : i32
        %add3A_554 = arith.addi %mul3A_2, %mul3A_553 : i32
        %dma_wait3A_555 = arith.constant 0 : i32
        %dma_wait3A_556 = arith.constant 0 : i32
        %dma_wait3A_557 = arith.constant 0 : i32
        %dma_wait3A_558 = tpu.memref_slice %arg10[%dma_wait3A_555, %dma_wait3A_556, %dma_wait3A_557] : memref<4x64x64xf32, #tpu.memory_space<vmem>> -> memref<1x64x64xf32, #tpu.memory_space<vmem>>
        %dma_wait3A_559 = tpu.memref_squeeze %dma_wait3A_558 : memref<1x64x64xf32, #tpu.memory_space<vmem>> -> memref<64x64xf32, #tpu.memory_space<vmem>>
        %dma_wait3A_560 = arith.constant 0 : i32
        %dma_wait3A_561 = tpu.memref_slice %arg6[%add3A_554, %dma_wait3A_560] : memref<204800x64xf32, #tpu.memory_space<hbm>> -> memref<64x64xf32, #tpu.memory_space<hbm>>
        %dma_wait3A_562 = arith.constant 0 : i32
        %dma_wait3A_563 = tpu.memref_slice %arg6[%add3A_554, %dma_wait3A_562] : memref<204800x64xf32, #tpu.memory_space<hbm>> -> memref<64x64xf32, #tpu.memory_space<hbm>>
        %dma_wait3A_564 = arith.constant 0 : i32
        %dma_wait3A_565 = arith.constant 0 : i32
        %dma_wait3A_566 = tpu.memref_slice %arg10[%dma_wait3A_555, %dma_wait3A_564, %dma_wait3A_565] : memref<4x64x64xf32, #tpu.memory_space<vmem>> -> memref<1x64x64xf32, #tpu.memory_space<vmem>>
        %dma_wait3A_567 = tpu.memref_squeeze %dma_wait3A_566 : memref<1x64x64xf32, #tpu.memory_space<vmem>> -> memref<64x64xf32, #tpu.memory_space<vmem>>
        tpu.wait_dma2 semaphore(%arg16 : memref<!tpu.dma_semaphore, #tpu.memory_space<semaphore_mem>>) src(%dma_wait3A_567 : memref<64x64xf32, #tpu.memory_space<vmem>>) dst(%dma_wait3A_563 : memref<64x64xf32, #tpu.memory_space<hbm>>)
      } else {
      }
      %mul3A_130 = arith.constant 4 : i32
      %mul3A_131 = arith.muli %mul3A_130, %scan3A_127 : i32
      %add3A_132 = arith.constant 0 : i32
      %add3A_133 = arith.addi %mul3A_131, %add3A_132 : i32
      %dma_start3A = arith.constant 0 : i32
      %dma_start3A_134 = arith.constant 0 : i32
      %dma_start3A_135 = arith.constant 0 : i32
      %dma_start3A_136 = tpu.memref_slice %arg10[%dma_start3A, %dma_start3A_134, %dma_start3A_135] : memref<4x64x64xf32, #tpu.memory_space<vmem>> -> memref<1x64x64xf32, #tpu.memory_space<vmem>>
      %dma_start3A_137 = tpu.memref_squeeze %dma_start3A_136 : memref<1x64x64xf32, #tpu.memory_space<vmem>> -> memref<64x64xf32, #tpu.memory_space<vmem>>
      %dma_start3A_138 = arith.constant 0 : i32
      %dma_start3A_139 = tpu.memref_slice %arg8[%add3A_133, %dma_start3A_138] : memref<100x64xi32, #tpu.memory_space<vmem>> -> memref<1x64xi32, #tpu.memory_space<vmem>>
      %dma_start3A_140 = tpu.memref_squeeze %dma_start3A_139 : memref<1x64xi32, #tpu.memory_space<vmem>> -> memref<64xi32, #tpu.memory_space<vmem>>
      %dma_start3A_141 = arith.constant 0 : i32
      %dma_start3A_142 = arith.constant 0 : i32
      %dma_start3A_143 = tpu.memref_slice %arg4[%dma_start3A_141, %dma_start3A_142] : memref<100000x64xf32, #tpu.memory_space<hbm>> -> memref<100000x64xf32, #tpu.memory_space<hbm>>
      tpu.enqueue_indirect_dma source(%dma_start3A_143 : memref<100000x64xf32, #tpu.memory_space<hbm>>) target(%dma_start3A_137 : memref<64x64xf32, #tpu.memory_space<vmem>>) offsets(%dma_start3A_140 : memref<64xi32, #tpu.memory_space<vmem>>) semaphore(%arg12 : memref<!tpu.dma_semaphore, #tpu.memory_space<semaphore_mem>>)
      %gt3A_144 = arith.constant 0 : i32
      %gt3A_145 = arith.cmpi sgt, %scan3A_127, %gt3A_144 : i32
      %convert_element_type3A_146 = arith.extui %gt3A_145 : i1 to i32
      %cond3A_147 = arith.constant 0 : i32
      %cond3A_148 = arith.cmpi ne, %convert_element_type3A_146, %cond3A_147 : i32
      scf.if %cond3A_148 {
        %sub3A = arith.constant 1 : i32
        %sub3A_547 = arith.subi %scan3A_127, %sub3A : i32
        %mul3A_548 = arith.constant 4 : i32
        %mul3A_549 = arith.muli %mul3A_548, %sub3A_547 : i32
        %add3A_550 = arith.constant 1 : i32
        %add3A_551 = arith.addi %mul3A_549, %add3A_550 : i32
        %mul3A_552 = arith.constant 64 : i32
        %mul3A_553 = arith.muli %add3A_551, %mul3A_552 : i32
        %add3A_554 = arith.addi %mul3A_2, %mul3A_553 : i32
        %dma_wait3A_555 = arith.constant 1 : i32
        %dma_wait3A_556 = arith.constant 0 : i32
        %dma_wait3A_557 = arith.constant 0 : i32
        %dma_wait3A_558 = tpu.memref_slice %arg10[%dma_wait3A_555, %dma_wait3A_556, %dma_wait3A_557] : memref<4x64x64xf32, #tpu.memory_space<vmem>> -> memref<1x64x64xf32, #tpu.memory_space<vmem>>
        %dma_wait3A_559 = tpu.memref_squeeze %dma_wait3A_558 : memref<1x64x64xf32, #tpu.memory_space<vmem>> -> memref<64x64xf32, #tpu.memory_space<vmem>>
        %dma_wait3A_560 = arith.constant 0 : i32
        %dma_wait3A_561 = tpu.memref_slice %arg6[%add3A_554, %dma_wait3A_560] : memref<204800x64xf32, #tpu.memory_space<hbm>> -> memref<64x64xf32, #tpu.memory_space<hbm>>
        %dma_wait3A_562 = arith.constant 0 : i32
        %dma_wait3A_563 = tpu.memref_slice %arg6[%add3A_554, %dma_wait3A_562] : memref<204800x64xf32, #tpu.memory_space<hbm>> -> memref<64x64xf32, #tpu.memory_space<hbm>>
        %dma_wait3A_564 = arith.constant 0 : i32
        %dma_wait3A_565 = arith.constant 0 : i32
        %dma_wait3A_566 = tpu.memref_slice %arg10[%dma_wait3A_555, %dma_wait3A_564, %dma_wait3A_565] : memref<4x64x64xf32, #tpu.memory_space<vmem>> -> memref<1x64x64xf32, #tpu.memory_space<vmem>>
        %dma_wait3A_567 = tpu.memref_squeeze %dma_wait3A_566 : memref<1x64x64xf32, #tpu.memory_space<vmem>> -> memref<64x64xf32, #tpu.memory_space<vmem>>
        tpu.wait_dma2 semaphore(%arg17 : memref<!tpu.dma_semaphore, #tpu.memory_space<semaphore_mem>>) src(%dma_wait3A_567 : memref<64x64xf32, #tpu.memory_space<vmem>>) dst(%dma_wait3A_563 : memref<64x64xf32, #tpu.memory_space<hbm>>)
      } else {
      }
      %mul3A_149 = arith.constant 4 : i32
      %mul3A_150 = arith.muli %mul3A_149, %scan3A_127 : i32
      %add3A_151 = arith.constant 1 : i32
      %add3A_152 = arith.addi %mul3A_150, %add3A_151 : i32
      %dma_start3A_153 = arith.constant 1 : i32
      %dma_start3A_154 = arith.constant 0 : i32
      %dma_start3A_155 = arith.constant 0 : i32
      %dma_start3A_156 = tpu.memref_slice %arg10[%dma_start3A_153, %dma_start3A_154, %dma_start3A_155] : memref<4x64x64xf32, #tpu.memory_space<vmem>> -> memref<1x64x64xf32, #tpu.memory_space<vmem>>
      %dma_start3A_157 = tpu.memref_squeeze %dma_start3A_156 : memref<1x64x64xf32, #tpu.memory_space<vmem>> -> memref<64x64xf32, #tpu.memory_space<vmem>>
      %dma_start3A_158 = arith.constant 0 : i32
      %dma_start3A_159 = tpu.memref_slice %arg8[%add3A_152, %dma_start3A_158] : memref<100x64xi32, #tpu.memory_space<vmem>> -> memref<1x64xi32, #tpu.memory_space<vmem>>
      %dma_start3A_160 = tpu.memref_squeeze %dma_start3A_159 : memref<1x64xi32, #tpu.memory_space<vmem>> -> memref<64xi32, #tpu.memory_space<vmem>>
      %dma_start3A_161 = arith.constant 0 : i32
      %dma_start3A_162 = arith.constant 0 : i32
      %dma_start3A_163 = tpu.memref_slice %arg4[%dma_start3A_161, %dma_start3A_162] : memref<100000x64xf32, #tpu.memory_space<hbm>> -> memref<100000x64xf32, #tpu.memory_space<hbm>>
      tpu.enqueue_indirect_dma source(%dma_start3A_163 : memref<100000x64xf32, #tpu.memory_space<hbm>>) target(%dma_start3A_157 : memref<64x64xf32, #tpu.memory_space<vmem>>) offsets(%dma_start3A_160 : memref<64xi32, #tpu.memory_space<vmem>>) semaphore(%arg13 : memref<!tpu.dma_semaphore, #tpu.memory_space<semaphore_mem>>)
      %gt3A_164 = arith.constant 0 : i32
      %gt3A_165 = arith.cmpi sgt, %scan3A_127, %gt3A_164 : i32
      %convert_element_type3A_166 = arith.extui %gt3A_165 : i1 to i32
      %cond3A_167 = arith.constant 0 : i32
      %cond3A_168 = arith.cmpi ne, %convert_element_type3A_166, %cond3A_167 : i32
      scf.if %cond3A_168 {
        %sub3A = arith.constant 1 : i32
        %sub3A_547 = arith.subi %scan3A_127, %sub3A : i32
        %mul3A_548 = arith.constant 4 : i32
        %mul3A_549 = arith.muli %mul3A_548, %sub3A_547 : i32
        %add3A_550 = arith.constant 2 : i32
        %add3A_551 = arith.addi %mul3A_549, %add3A_550 : i32
        %mul3A_552 = arith.constant 64 : i32
        %mul3A_553 = arith.muli %add3A_551, %mul3A_552 : i32
        %add3A_554 = arith.addi %mul3A_2, %mul3A_553 : i32
        %dma_wait3A_555 = arith.constant 2 : i32
        %dma_wait3A_556 = arith.constant 0 : i32
        %dma_wait3A_557 = arith.constant 0 : i32
        %dma_wait3A_558 = tpu.memref_slice %arg10[%dma_wait3A_555, %dma_wait3A_556, %dma_wait3A_557] : memref<4x64x64xf32, #tpu.memory_space<vmem>> -> memref<1x64x64xf32, #tpu.memory_space<vmem>>
        %dma_wait3A_559 = tpu.memref_squeeze %dma_wait3A_558 : memref<1x64x64xf32, #tpu.memory_space<vmem>> -> memref<64x64xf32, #tpu.memory_space<vmem>>
        %dma_wait3A_560 = arith.constant 0 : i32
        %dma_wait3A_561 = tpu.memref_slice %arg6[%add3A_554, %dma_wait3A_560] : memref<204800x64xf32, #tpu.memory_space<hbm>> -> memref<64x64xf32, #tpu.memory_space<hbm>>
        %dma_wait3A_562 = arith.constant 0 : i32
        %dma_wait3A_563 = tpu.memref_slice %arg6[%add3A_554, %dma_wait3A_562] : memref<204800x64xf32, #tpu.memory_space<hbm>> -> memref<64x64xf32, #tpu.memory_space<hbm>>
        %dma_wait3A_564 = arith.constant 0 : i32
        %dma_wait3A_565 = arith.constant 0 : i32
        %dma_wait3A_566 = tpu.memref_slice %arg10[%dma_wait3A_555, %dma_wait3A_564, %dma_wait3A_565] : memref<4x64x64xf32, #tpu.memory_space<vmem>> -> memref<1x64x64xf32, #tpu.memory_space<vmem>>
        %dma_wait3A_567 = tpu.memref_squeeze %dma_wait3A_566 : memref<1x64x64xf32, #tpu.memory_space<vmem>> -> memref<64x64xf32, #tpu.memory_space<vmem>>
        tpu.wait_dma2 semaphore(%arg18 : memref<!tpu.dma_semaphore, #tpu.memory_space<semaphore_mem>>) src(%dma_wait3A_567 : memref<64x64xf32, #tpu.memory_space<vmem>>) dst(%dma_wait3A_563 : memref<64x64xf32, #tpu.memory_space<hbm>>)
      } else {
      }
      %mul3A_169 = arith.constant 4 : i32
      %mul3A_170 = arith.muli %mul3A_169, %scan3A_127 : i32
      %add3A_171 = arith.constant 2 : i32
      %add3A_172 = arith.addi %mul3A_170, %add3A_171 : i32
      %dma_start3A_173 = arith.constant 2 : i32
      %dma_start3A_174 = arith.constant 0 : i32
      %dma_start3A_175 = arith.constant 0 : i32
      %dma_start3A_176 = tpu.memref_slice %arg10[%dma_start3A_173, %dma_start3A_174, %dma_start3A_175] : memref<4x64x64xf32, #tpu.memory_space<vmem>> -> memref<1x64x64xf32, #tpu.memory_space<vmem>>
      %dma_start3A_177 = tpu.memref_squeeze %dma_start3A_176 : memref<1x64x64xf32, #tpu.memory_space<vmem>> -> memref<64x64xf32, #tpu.memory_space<vmem>>
      %dma_start3A_178 = arith.constant 0 : i32
      %dma_start3A_179 = tpu.memref_slice %arg8[%add3A_172, %dma_start3A_178] : memref<100x64xi32, #tpu.memory_space<vmem>> -> memref<1x64xi32, #tpu.memory_space<vmem>>
      %dma_start3A_180 = tpu.memref_squeeze %dma_start3A_179 : memref<1x64xi32, #tpu.memory_space<vmem>> -> memref<64xi32, #tpu.memory_space<vmem>>
      %dma_start3A_181 = arith.constant 0 : i32
      %dma_start3A_182 = arith.constant 0 : i32
      %dma_start3A_183 = tpu.memref_slice %arg4[%dma_start3A_181, %dma_start3A_182] : memref<100000x64xf32, #tpu.memory_space<hbm>> -> memref<100000x64xf32, #tpu.memory_space<hbm>>
      tpu.enqueue_indirect_dma source(%dma_start3A_183 : memref<100000x64xf32, #tpu.memory_space<hbm>>) target(%dma_start3A_177 : memref<64x64xf32, #tpu.memory_space<vmem>>) offsets(%dma_start3A_180 : memref<64xi32, #tpu.memory_space<vmem>>) semaphore(%arg14 : memref<!tpu.dma_semaphore, #tpu.memory_space<semaphore_mem>>)
      %gt3A_184 = arith.constant 0 : i32
      %gt3A_185 = arith.cmpi sgt, %scan3A_127, %gt3A_184 : i32
      %convert_element_type3A_186 = arith.extui %gt3A_185 : i1 to i32
      %cond3A_187 = arith.constant 0 : i32
      %cond3A_188 = arith.cmpi ne, %convert_element_type3A_186, %cond3A_187 : i32
      scf.if %cond3A_188 {
        %sub3A = arith.constant 1 : i32
        %sub3A_547 = arith.subi %scan3A_127, %sub3A : i32
        %mul3A_548 = arith.constant 4 : i32
        %mul3A_549 = arith.muli %mul3A_548, %sub3A_547 : i32
        %add3A_550 = arith.constant 3 : i32
        %add3A_551 = arith.addi %mul3A_549, %add3A_550 : i32
        %mul3A_552 = arith.constant 64 : i32
        %mul3A_553 = arith.muli %add3A_551, %mul3A_552 : i32
        %add3A_554 = arith.addi %mul3A_2, %mul3A_553 : i32
        %dma_wait3A_555 = arith.constant 3 : i32
        %dma_wait3A_556 = arith.constant 0 : i32
        %dma_wait3A_557 = arith.constant 0 : i32
        %dma_wait3A_558 = tpu.memref_slice %arg10[%dma_wait3A_555, %dma_wait3A_556, %dma_wait3A_557] : memref<4x64x64xf32, #tpu.memory_space<vmem>> -> memref<1x64x64xf32, #tpu.memory_space<vmem>>
        %dma_wait3A_559 = tpu.memref_squeeze %dma_wait3A_558 : memref<1x64x64xf32, #tpu.memory_space<vmem>> -> memref<64x64xf32, #tpu.memory_space<vmem>>
        %dma_wait3A_560 = arith.constant 0 : i32
        %dma_wait3A_561 = tpu.memref_slice %arg6[%add3A_554, %dma_wait3A_560] : memref<204800x64xf32, #tpu.memory_space<hbm>> -> memref<64x64xf32, #tpu.memory_space<hbm>>
        %dma_wait3A_562 = arith.constant 0 : i32
        %dma_wait3A_563 = tpu.memref_slice %arg6[%add3A_554, %dma_wait3A_562] : memref<204800x64xf32, #tpu.memory_space<hbm>> -> memref<64x64xf32, #tpu.memory_space<hbm>>
        %dma_wait3A_564 = arith.constant 0 : i32
        %dma_wait3A_565 = arith.constant 0 : i32
        %dma_wait3A_566 = tpu.memref_slice %arg10[%dma_wait3A_555, %dma_wait3A_564, %dma_wait3A_565] : memref<4x64x64xf32, #tpu.memory_space<vmem>> -> memref<1x64x64xf32, #tpu.memory_space<vmem>>
        %dma_wait3A_567 = tpu.memref_squeeze %dma_wait3A_566 : memref<1x64x64xf32, #tpu.memory_space<vmem>> -> memref<64x64xf32, #tpu.memory_space<vmem>>
        tpu.wait_dma2 semaphore(%arg19 : memref<!tpu.dma_semaphore, #tpu.memory_space<semaphore_mem>>) src(%dma_wait3A_567 : memref<64x64xf32, #tpu.memory_space<vmem>>) dst(%dma_wait3A_563 : memref<64x64xf32, #tpu.memory_space<hbm>>)
      } else {
      }
      %mul3A_189 = arith.constant 4 : i32
      %mul3A_190 = arith.muli %mul3A_189, %scan3A_127 : i32
      %add3A_191 = arith.constant 3 : i32
      %add3A_192 = arith.addi %mul3A_190, %add3A_191 : i32
      %dma_start3A_193 = arith.constant 3 : i32
      %dma_start3A_194 = arith.constant 0 : i32
      %dma_start3A_195 = arith.constant 0 : i32
      %dma_start3A_196 = tpu.memref_slice %arg10[%dma_start3A_193, %dma_start3A_194, %dma_start3A_195] : memref<4x64x64xf32, #tpu.memory_space<vmem>> -> memref<1x64x64xf32, #tpu.memory_space<vmem>>
      %dma_start3A_197 = tpu.memref_squeeze %dma_start3A_196 : memref<1x64x64xf32, #tpu.memory_space<vmem>> -> memref<64x64xf32, #tpu.memory_space<vmem>>
      %dma_start3A_198 = arith.constant 0 : i32
      %dma_start3A_199 = tpu.memref_slice %arg8[%add3A_192, %dma_start3A_198] : memref<100x64xi32, #tpu.memory_space<vmem>> -> memref<1x64xi32, #tpu.memory_space<vmem>>
      %dma_start3A_200 = tpu.memref_squeeze %dma_start3A_199 : memref<1x64xi32, #tpu.memory_space<vmem>> -> memref<64xi32, #tpu.memory_space<vmem>>
      %dma_start3A_201 = arith.constant 0 : i32
      %dma_start3A_202 = arith.constant 0 : i32
      %dma_start3A_203 = tpu.memref_slice %arg4[%dma_start3A_201, %dma_start3A_202] : memref<100000x64xf32, #tpu.memory_space<hbm>> -> memref<100000x64xf32, #tpu.memory_space<hbm>>
      tpu.enqueue_indirect_dma source(%dma_start3A_203 : memref<100000x64xf32, #tpu.memory_space<hbm>>) target(%dma_start3A_197 : memref<64x64xf32, #tpu.memory_space<vmem>>) offsets(%dma_start3A_200 : memref<64xi32, #tpu.memory_space<vmem>>) semaphore(%arg15 : memref<!tpu.dma_semaphore, #tpu.memory_space<semaphore_mem>>)
      %mul3A_204 = arith.constant 4 : i32
      %mul3A_205 = arith.muli %mul3A_204, %scan3A_127 : i32
      %add3A_206 = arith.constant 0 : i32
      %add3A_207 = arith.addi %mul3A_205, %add3A_206 : i32
      %ge3A = arith.constant 4 : i32
      %ge3A_208 = arith.cmpi sge, %add3A_207, %ge3A : i32
      %convert_element_type3A_209 = arith.extui %ge3A_208 : i1 to i32
      %cond3A_210 = arith.constant 0 : i32
      %cond3A_211 = arith.cmpi ne, %convert_element_type3A_209, %cond3A_210 : i32
      scf.if %cond3A_211 {
        %sub3A = arith.constant 4 : i32
        %sub3A_547 = arith.subi %add3A_207, %sub3A : i32
        %mul3A_548 = arith.constant 64 : i32
        %mul3A_549 = arith.muli %sub3A_547, %mul3A_548 : i32
        %add3A_550 = arith.addi %mul3A_2, %mul3A_549 : i32
        %dma_wait3A_551 = arith.constant 0 : i32
        %dma_wait3A_552 = arith.constant 0 : i32
        %dma_wait3A_553 = arith.constant 0 : i32
        %dma_wait3A_554 = tpu.memref_slice %arg11[%dma_wait3A_551, %dma_wait3A_552, %dma_wait3A_553] : memref<4x64x64xf32, #tpu.memory_space<vmem>> -> memref<1x64x64xf32, #tpu.memory_space<vmem>>
        %dma_wait3A_555 = tpu.memref_squeeze %dma_wait3A_554 : memref<1x64x64xf32, #tpu.memory_space<vmem>> -> memref<64x64xf32, #tpu.memory_space<vmem>>
        %dma_wait3A_556 = arith.constant 0 : i32
        %dma_wait3A_557 = tpu.memref_slice %arg7[%add3A_550, %dma_wait3A_556] : memref<204800x64xf32, #tpu.memory_space<hbm>> -> memref<64x64xf32, #tpu.memory_space<hbm>>
        %dma_wait3A_558 = arith.constant 0 : i32
        %dma_wait3A_559 = tpu.memref_slice %arg7[%add3A_550, %dma_wait3A_558] : memref<204800x64xf32, #tpu.memory_space<hbm>> -> memref<64x64xf32, #tpu.memory_space<hbm>>
        %dma_wait3A_560 = arith.constant 0 : i32
        %dma_wait3A_561 = arith.constant 0 : i32
        %dma_wait3A_562 = tpu.memref_slice %arg11[%dma_wait3A_551, %dma_wait3A_560, %dma_wait3A_561] : memref<4x64x64xf32, #tpu.memory_space<vmem>> -> memref<1x64x64xf32, #tpu.memory_space<vmem>>
        %dma_wait3A_563 = tpu.memref_squeeze %dma_wait3A_562 : memref<1x64x64xf32, #tpu.memory_space<vmem>> -> memref<64x64xf32, #tpu.memory_space<vmem>>
        tpu.wait_dma2 semaphore(%arg24 : memref<!tpu.dma_semaphore, #tpu.memory_space<semaphore_mem>>) src(%dma_wait3A_563 : memref<64x64xf32, #tpu.memory_space<vmem>>) dst(%dma_wait3A_559 : memref<64x64xf32, #tpu.memory_space<hbm>>)
      } else {
      }
      %dma_start3A_212 = arith.constant 0 : i32
      %dma_start3A_213 = arith.constant 0 : i32
      %dma_start3A_214 = arith.constant 0 : i32
      %dma_start3A_215 = tpu.memref_slice %arg11[%dma_start3A_212, %dma_start3A_213, %dma_start3A_214] : memref<4x64x64xf32, #tpu.memory_space<vmem>> -> memref<1x64x64xf32, #tpu.memory_space<vmem>>
      %dma_start3A_216 = tpu.memref_squeeze %dma_start3A_215 : memref<1x64x64xf32, #tpu.memory_space<vmem>> -> memref<64x64xf32, #tpu.memory_space<vmem>>
      %dma_start3A_217 = arith.constant 0 : i32
      %dma_start3A_218 = tpu.memref_slice %arg9[%add3A_207, %dma_start3A_217] : memref<100x64xi32, #tpu.memory_space<vmem>> -> memref<1x64xi32, #tpu.memory_space<vmem>>
      %dma_start3A_219 = tpu.memref_squeeze %dma_start3A_218 : memref<1x64xi32, #tpu.memory_space<vmem>> -> memref<64xi32, #tpu.memory_space<vmem>>
      %dma_start3A_220 = arith.constant 0 : i32
      %dma_start3A_221 = arith.constant 0 : i32
      %dma_start3A_222 = tpu.memref_slice %arg5[%dma_start3A_220, %dma_start3A_221] : memref<1000x64xf32, #tpu.memory_space<hbm>> -> memref<1000x64xf32, #tpu.memory_space<hbm>>
      tpu.enqueue_indirect_dma source(%dma_start3A_222 : memref<1000x64xf32, #tpu.memory_space<hbm>>) target(%dma_start3A_216 : memref<64x64xf32, #tpu.memory_space<vmem>>) offsets(%dma_start3A_219 : memref<64xi32, #tpu.memory_space<vmem>>) semaphore(%arg20 : memref<!tpu.dma_semaphore, #tpu.memory_space<semaphore_mem>>)
      %mul3A_223 = arith.constant 4 : i32
      %mul3A_224 = arith.muli %mul3A_223, %scan3A_127 : i32
      %add3A_225 = arith.constant 1 : i32
      %add3A_226 = arith.addi %mul3A_224, %add3A_225 : i32
      %ge3A_227 = arith.constant 4 : i32
      %ge3A_228 = arith.cmpi sge, %add3A_226, %ge3A_227 : i32
      %convert_element_type3A_229 = arith.extui %ge3A_228 : i1 to i32
      %cond3A_230 = arith.constant 0 : i32
      %cond3A_231 = arith.cmpi ne, %convert_element_type3A_229, %cond3A_230 : i32
      scf.if %cond3A_231 {
        %sub3A = arith.constant 4 : i32
        %sub3A_547 = arith.subi %add3A_226, %sub3A : i32
        %mul3A_548 = arith.constant 64 : i32
        %mul3A_549 = arith.muli %sub3A_547, %mul3A_548 : i32
        %add3A_550 = arith.addi %mul3A_2, %mul3A_549 : i32
        %dma_wait3A_551 = arith.constant 1 : i32
        %dma_wait3A_552 = arith.constant 0 : i32
        %dma_wait3A_553 = arith.constant 0 : i32
        %dma_wait3A_554 = tpu.memref_slice %arg11[%dma_wait3A_551, %dma_wait3A_552, %dma_wait3A_553] : memref<4x64x64xf32, #tpu.memory_space<vmem>> -> memref<1x64x64xf32, #tpu.memory_space<vmem>>
        %dma_wait3A_555 = tpu.memref_squeeze %dma_wait3A_554 : memref<1x64x64xf32, #tpu.memory_space<vmem>> -> memref<64x64xf32, #tpu.memory_space<vmem>>
        %dma_wait3A_556 = arith.constant 0 : i32
        %dma_wait3A_557 = tpu.memref_slice %arg7[%add3A_550, %dma_wait3A_556] : memref<204800x64xf32, #tpu.memory_space<hbm>> -> memref<64x64xf32, #tpu.memory_space<hbm>>
        %dma_wait3A_558 = arith.constant 0 : i32
        %dma_wait3A_559 = tpu.memref_slice %arg7[%add3A_550, %dma_wait3A_558] : memref<204800x64xf32, #tpu.memory_space<hbm>> -> memref<64x64xf32, #tpu.memory_space<hbm>>
        %dma_wait3A_560 = arith.constant 0 : i32
        %dma_wait3A_561 = arith.constant 0 : i32
        %dma_wait3A_562 = tpu.memref_slice %arg11[%dma_wait3A_551, %dma_wait3A_560, %dma_wait3A_561] : memref<4x64x64xf32, #tpu.memory_space<vmem>> -> memref<1x64x64xf32, #tpu.memory_space<vmem>>
        %dma_wait3A_563 = tpu.memref_squeeze %dma_wait3A_562 : memref<1x64x64xf32, #tpu.memory_space<vmem>> -> memref<64x64xf32, #tpu.memory_space<vmem>>
        tpu.wait_dma2 semaphore(%arg24 : memref<!tpu.dma_semaphore, #tpu.memory_space<semaphore_mem>>) src(%dma_wait3A_563 : memref<64x64xf32, #tpu.memory_space<vmem>>) dst(%dma_wait3A_559 : memref<64x64xf32, #tpu.memory_space<hbm>>)
      } else {
      }
      %dma_start3A_232 = arith.constant 1 : i32
      %dma_start3A_233 = arith.constant 0 : i32
      %dma_start3A_234 = arith.constant 0 : i32
      %dma_start3A_235 = tpu.memref_slice %arg11[%dma_start3A_232, %dma_start3A_233, %dma_start3A_234] : memref<4x64x64xf32, #tpu.memory_space<vmem>> -> memref<1x64x64xf32, #tpu.memory_space<vmem>>
      %dma_start3A_236 = tpu.memref_squeeze %dma_start3A_235 : memref<1x64x64xf32, #tpu.memory_space<vmem>> -> memref<64x64xf32, #tpu.memory_space<vmem>>
      %dma_start3A_237 = arith.constant 0 : i32
      %dma_start3A_238 = tpu.memref_slice %arg9[%add3A_226, %dma_start3A_237] : memref<100x64xi32, #tpu.memory_space<vmem>> -> memref<1x64xi32, #tpu.memory_space<vmem>>
      %dma_start3A_239 = tpu.memref_squeeze %dma_start3A_238 : memref<1x64xi32, #tpu.memory_space<vmem>> -> memref<64xi32, #tpu.memory_space<vmem>>
      %dma_start3A_240 = arith.constant 0 : i32
      %dma_start3A_241 = arith.constant 0 : i32
      %dma_start3A_242 = tpu.memref_slice %arg5[%dma_start3A_240, %dma_start3A_241] : memref<1000x64xf32, #tpu.memory_space<hbm>> -> memref<1000x64xf32, #tpu.memory_space<hbm>>
      tpu.enqueue_indirect_dma source(%dma_start3A_242 : memref<1000x64xf32, #tpu.memory_space<hbm>>) target(%dma_start3A_236 : memref<64x64xf32, #tpu.memory_space<vmem>>) offsets(%dma_start3A_239 : memref<64xi32, #tpu.memory_space<vmem>>) semaphore(%arg21 : memref<!tpu.dma_semaphore, #tpu.memory_space<semaphore_mem>>)
      %mul3A_243 = arith.constant 4 : i32
      %mul3A_244 = arith.muli %mul3A_243, %scan3A_127 : i32
      %add3A_245 = arith.constant 2 : i32
      %add3A_246 = arith.addi %mul3A_244, %add3A_245 : i32
      %ge3A_247 = arith.constant 4 : i32
      %ge3A_248 = arith.cmpi sge, %add3A_246, %ge3A_247 : i32
      %convert_element_type3A_249 = arith.extui %ge3A_248 : i1 to i32
      %cond3A_250 = arith.constant 0 : i32
      %cond3A_251 = arith.cmpi ne, %convert_element_type3A_249, %cond3A_250 : i32
      scf.if %cond3A_251 {
        %sub3A = arith.constant 4 : i32
        %sub3A_547 = arith.subi %add3A_246, %sub3A : i32
        %mul3A_548 = arith.constant 64 : i32
        %mul3A_549 = arith.muli %sub3A_547, %mul3A_548 : i32
        %add3A_550 = arith.addi %mul3A_2, %mul3A_549 : i32
        %dma_wait3A_551 = arith.constant 2 : i32
        %dma_wait3A_552 = arith.constant 0 : i32
        %dma_wait3A_553 = arith.constant 0 : i32
        %dma_wait3A_554 = tpu.memref_slice %arg11[%dma_wait3A_551, %dma_wait3A_552, %dma_wait3A_553] : memref<4x64x64xf32, #tpu.memory_space<vmem>> -> memref<1x64x64xf32, #tpu.memory_space<vmem>>
        %dma_wait3A_555 = tpu.memref_squeeze %dma_wait3A_554 : memref<1x64x64xf32, #tpu.memory_space<vmem>> -> memref<64x64xf32, #tpu.memory_space<vmem>>
        %dma_wait3A_556 = arith.constant 0 : i32
        %dma_wait3A_557 = tpu.memref_slice %arg7[%add3A_550, %dma_wait3A_556] : memref<204800x64xf32, #tpu.memory_space<hbm>> -> memref<64x64xf32, #tpu.memory_space<hbm>>
        %dma_wait3A_558 = arith.constant 0 : i32
        %dma_wait3A_559 = tpu.memref_slice %arg7[%add3A_550, %dma_wait3A_558] : memref<204800x64xf32, #tpu.memory_space<hbm>> -> memref<64x64xf32, #tpu.memory_space<hbm>>
        %dma_wait3A_560 = arith.constant 0 : i32
        %dma_wait3A_561 = arith.constant 0 : i32
        %dma_wait3A_562 = tpu.memref_slice %arg11[%dma_wait3A_551, %dma_wait3A_560, %dma_wait3A_561] : memref<4x64x64xf32, #tpu.memory_space<vmem>> -> memref<1x64x64xf32, #tpu.memory_space<vmem>>
        %dma_wait3A_563 = tpu.memref_squeeze %dma_wait3A_562 : memref<1x64x64xf32, #tpu.memory_space<vmem>> -> memref<64x64xf32, #tpu.memory_space<vmem>>
        tpu.wait_dma2 semaphore(%arg24 : memref<!tpu.dma_semaphore, #tpu.memory_space<semaphore_mem>>) src(%dma_wait3A_563 : memref<64x64xf32, #tpu.memory_space<vmem>>) dst(%dma_wait3A_559 : memref<64x64xf32, #tpu.memory_space<hbm>>)
      } else {
      }
      %dma_start3A_252 = arith.constant 2 : i32
      %dma_start3A_253 = arith.constant 0 : i32
      %dma_start3A_254 = arith.constant 0 : i32
      %dma_start3A_255 = tpu.memref_slice %arg11[%dma_start3A_252, %dma_start3A_253, %dma_start3A_254] : memref<4x64x64xf32, #tpu.memory_space<vmem>> -> memref<1x64x64xf32, #tpu.memory_space<vmem>>
      %dma_start3A_256 = tpu.memref_squeeze %dma_start3A_255 : memref<1x64x64xf32, #tpu.memory_space<vmem>> -> memref<64x64xf32, #tpu.memory_space<vmem>>
      %dma_start3A_257 = arith.constant 0 : i32
      %dma_start3A_258 = tpu.memref_slice %arg9[%add3A_246, %dma_start3A_257] : memref<100x64xi32, #tpu.memory_space<vmem>> -> memref<1x64xi32, #tpu.memory_space<vmem>>
      %dma_start3A_259 = tpu.memref_squeeze %dma_start3A_258 : memref<1x64xi32, #tpu.memory_space<vmem>> -> memref<64xi32, #tpu.memory_space<vmem>>
      %dma_start3A_260 = arith.constant 0 : i32
      %dma_start3A_261 = arith.constant 0 : i32
      %dma_start3A_262 = tpu.memref_slice %arg5[%dma_start3A_260, %dma_start3A_261] : memref<1000x64xf32, #tpu.memory_space<hbm>> -> memref<1000x64xf32, #tpu.memory_space<hbm>>
      tpu.enqueue_indirect_dma source(%dma_start3A_262 : memref<1000x64xf32, #tpu.memory_space<hbm>>) target(%dma_start3A_256 : memref<64x64xf32, #tpu.memory_space<vmem>>) offsets(%dma_start3A_259 : memref<64xi32, #tpu.memory_space<vmem>>) semaphore(%arg22 : memref<!tpu.dma_semaphore, #tpu.memory_space<semaphore_mem>>)
      %mul3A_263 = arith.constant 4 : i32
      %mul3A_264 = arith.muli %mul3A_263, %scan3A_127 : i32
      %add3A_265 = arith.constant 3 : i32
      %add3A_266 = arith.addi %mul3A_264, %add3A_265 : i32
      %ge3A_267 = arith.constant 4 : i32
      %ge3A_268 = arith.cmpi sge, %add3A_266, %ge3A_267 : i32
      %convert_element_type3A_269 = arith.extui %ge3A_268 : i1 to i32
      %cond3A_270 = arith.constant 0 : i32
      %cond3A_271 = arith.cmpi ne, %convert_element_type3A_269, %cond3A_270 : i32
      scf.if %cond3A_271 {
        %sub3A = arith.constant 4 : i32
        %sub3A_547 = arith.subi %add3A_266, %sub3A : i32
        %mul3A_548 = arith.constant 64 : i32
        %mul3A_549 = arith.muli %sub3A_547, %mul3A_548 : i32
        %add3A_550 = arith.addi %mul3A_2, %mul3A_549 : i32
        %dma_wait3A_551 = arith.constant 3 : i32
        %dma_wait3A_552 = arith.constant 0 : i32
        %dma_wait3A_553 = arith.constant 0 : i32
        %dma_wait3A_554 = tpu.memref_slice %arg11[%dma_wait3A_551, %dma_wait3A_552, %dma_wait3A_553] : memref<4x64x64xf32, #tpu.memory_space<vmem>> -> memref<1x64x64xf32, #tpu.memory_space<vmem>>
        %dma_wait3A_555 = tpu.memref_squeeze %dma_wait3A_554 : memref<1x64x64xf32, #tpu.memory_space<vmem>> -> memref<64x64xf32, #tpu.memory_space<vmem>>
        %dma_wait3A_556 = arith.constant 0 : i32
        %dma_wait3A_557 = tpu.memref_slice %arg7[%add3A_550, %dma_wait3A_556] : memref<204800x64xf32, #tpu.memory_space<hbm>> -> memref<64x64xf32, #tpu.memory_space<hbm>>
        %dma_wait3A_558 = arith.constant 0 : i32
        %dma_wait3A_559 = tpu.memref_slice %arg7[%add3A_550, %dma_wait3A_558] : memref<204800x64xf32, #tpu.memory_space<hbm>> -> memref<64x64xf32, #tpu.memory_space<hbm>>
        %dma_wait3A_560 = arith.constant 0 : i32
        %dma_wait3A_561 = arith.constant 0 : i32
        %dma_wait3A_562 = tpu.memref_slice %arg11[%dma_wait3A_551, %dma_wait3A_560, %dma_wait3A_561] : memref<4x64x64xf32, #tpu.memory_space<vmem>> -> memref<1x64x64xf32, #tpu.memory_space<vmem>>
        %dma_wait3A_563 = tpu.memref_squeeze %dma_wait3A_562 : memref<1x64x64xf32, #tpu.memory_space<vmem>> -> memref<64x64xf32, #tpu.memory_space<vmem>>
        tpu.wait_dma2 semaphore(%arg24 : memref<!tpu.dma_semaphore, #tpu.memory_space<semaphore_mem>>) src(%dma_wait3A_563 : memref<64x64xf32, #tpu.memory_space<vmem>>) dst(%dma_wait3A_559 : memref<64x64xf32, #tpu.memory_space<hbm>>)
      } else {
      }
      %dma_start3A_272 = arith.constant 3 : i32
      %dma_start3A_273 = arith.constant 0 : i32
      %dma_start3A_274 = arith.constant 0 : i32
      %dma_start3A_275 = tpu.memref_slice %arg11[%dma_start3A_272, %dma_start3A_273, %dma_start3A_274] : memref<4x64x64xf32, #tpu.memory_space<vmem>> -> memref<1x64x64xf32, #tpu.memory_space<vmem>>
      %dma_start3A_276 = tpu.memref_squeeze %dma_start3A_275 : memref<1x64x64xf32, #tpu.memory_space<vmem>> -> memref<64x64xf32, #tpu.memory_space<vmem>>
      %dma_start3A_277 = arith.constant 0 : i32
      %dma_start3A_278 = tpu.memref_slice %arg9[%add3A_266, %dma_start3A_277] : memref<100x64xi32, #tpu.memory_space<vmem>> -> memref<1x64xi32, #tpu.memory_space<vmem>>
      %dma_start3A_279 = tpu.memref_squeeze %dma_start3A_278 : memref<1x64xi32, #tpu.memory_space<vmem>> -> memref<64xi32, #tpu.memory_space<vmem>>
      %dma_start3A_280 = arith.constant 0 : i32
      %dma_start3A_281 = arith.constant 0 : i32
      %dma_start3A_282 = tpu.memref_slice %arg5[%dma_start3A_280, %dma_start3A_281] : memref<1000x64xf32, #tpu.memory_space<hbm>> -> memref<1000x64xf32, #tpu.memory_space<hbm>>
      tpu.enqueue_indirect_dma source(%dma_start3A_282 : memref<1000x64xf32, #tpu.memory_space<hbm>>) target(%dma_start3A_276 : memref<64x64xf32, #tpu.memory_space<vmem>>) offsets(%dma_start3A_279 : memref<64xi32, #tpu.memory_space<vmem>>) semaphore(%arg23 : memref<!tpu.dma_semaphore, #tpu.memory_space<semaphore_mem>>)
      %mul3A_283 = arith.constant 4 : i32
      %mul3A_284 = arith.muli %mul3A_283, %scan3A_127 : i32
      %add3A_285 = arith.constant 0 : i32
      %add3A_286 = arith.addi %mul3A_284, %add3A_285 : i32
      %dma_wait3A_287 = arith.constant 0 : i32
      %dma_wait3A_288 = arith.constant 0 : i32
      %dma_wait3A_289 = arith.constant 0 : i32
      %dma_wait3A_290 = tpu.memref_slice %arg10[%dma_wait3A_287, %dma_wait3A_288, %dma_wait3A_289] : memref<4x64x64xf32, #tpu.memory_space<vmem>> -> memref<1x64x64xf32, #tpu.memory_space<vmem>>
      %dma_wait3A_291 = tpu.memref_squeeze %dma_wait3A_290 : memref<1x64x64xf32, #tpu.memory_space<vmem>> -> memref<64x64xf32, #tpu.memory_space<vmem>>
      %dma_wait3A_292 = arith.constant 0 : i32
      %dma_wait3A_293 = tpu.memref_slice %arg8[%add3A_286, %dma_wait3A_292] : memref<100x64xi32, #tpu.memory_space<vmem>> -> memref<1x64xi32, #tpu.memory_space<vmem>>
      %dma_wait3A_294 = tpu.memref_squeeze %dma_wait3A_293 : memref<1x64xi32, #tpu.memory_space<vmem>> -> memref<64xi32, #tpu.memory_space<vmem>>
      %dma_wait3A_295 = arith.constant 0 : i32
      %dma_wait3A_296 = arith.constant 0 : i32
      %dma_wait3A_297 = tpu.memref_slice %arg4[%dma_wait3A_295, %dma_wait3A_296] : memref<100000x64xf32, #tpu.memory_space<hbm>> -> memref<100000x64xf32, #tpu.memory_space<hbm>>
      tpu.wait_indirect_dma semaphore(%arg12 : memref<!tpu.dma_semaphore, #tpu.memory_space<semaphore_mem>>) src(%dma_wait3A_297 : memref<100000x64xf32, #tpu.memory_space<hbm>>) dst(%dma_wait3A_291 : memref<64x64xf32, #tpu.memory_space<vmem>>)
      %mul3A_298 = arith.constant 4 : i32
      %mul3A_299 = arith.muli %mul3A_298, %scan3A_127 : i32
      %add3A_300 = arith.constant 0 : i32
      %add3A_301 = arith.addi %mul3A_299, %add3A_300 : i32
      %mul3A_302 = arith.constant 64 : i32
      %mul3A_303 = arith.muli %add3A_301, %mul3A_302 : i32
      %add3A_304 = arith.addi %mul3A_2, %mul3A_303 : i32
      %dma_start3A_305 = arith.constant 0 : i32
      %dma_start3A_306 = arith.constant 0 : i32
      %dma_start3A_307 = arith.constant 0 : i32
      %dma_start3A_308 = tpu.memref_slice %arg10[%dma_start3A_305, %dma_start3A_306, %dma_start3A_307] : memref<4x64x64xf32, #tpu.memory_space<vmem>> -> memref<1x64x64xf32, #tpu.memory_space<vmem>>
      %dma_start3A_309 = tpu.memref_squeeze %dma_start3A_308 : memref<1x64x64xf32, #tpu.memory_space<vmem>> -> memref<64x64xf32, #tpu.memory_space<vmem>>
      %dma_start3A_310 = arith.constant 0 : i32
      %dma_start3A_311 = tpu.memref_slice %arg6[%add3A_304, %dma_start3A_310] : memref<204800x64xf32, #tpu.memory_space<hbm>> -> memref<64x64xf32, #tpu.memory_space<hbm>>
      %dma_start3A_312 = arith.constant 0 : i32
      %dma_start3A_313 = tpu.memref_slice %arg6[%add3A_304, %dma_start3A_312] : memref<204800x64xf32, #tpu.memory_space<hbm>> -> memref<64x64xf32, #tpu.memory_space<hbm>>
      %dma_start3A_314 = arith.constant 0 : i32
      %dma_start3A_315 = arith.constant 0 : i32
      %dma_start3A_316 = tpu.memref_slice %arg10[%dma_start3A_305, %dma_start3A_314, %dma_start3A_315] : memref<4x64x64xf32, #tpu.memory_space<vmem>> -> memref<1x64x64xf32, #tpu.memory_space<vmem>>
      %dma_start3A_317 = tpu.memref_squeeze %dma_start3A_316 : memref<1x64x64xf32, #tpu.memory_space<vmem>> -> memref<64x64xf32, #tpu.memory_space<vmem>>
      tpu.enqueue_dma source(%dma_start3A_317 : memref<64x64xf32, #tpu.memory_space<vmem>>) target(%dma_start3A_313 : memref<64x64xf32, #tpu.memory_space<hbm>>) target_semaphore(%arg16 : memref<!tpu.dma_semaphore, #tpu.memory_space<semaphore_mem>>)
      %mul3A_318 = arith.constant 4 : i32
      %mul3A_319 = arith.muli %mul3A_318, %scan3A_127 : i32
      %add3A_320 = arith.constant 1 : i32
      %add3A_321 = arith.addi %mul3A_319, %add3A_320 : i32
      %dma_wait3A_322 = arith.constant 1 : i32
      %dma_wait3A_323 = arith.constant 0 : i32
      %dma_wait3A_324 = arith.constant 0 : i32
      %dma_wait3A_325 = tpu.memref_slice %arg10[%dma_wait3A_322, %dma_wait3A_323, %dma_wait3A_324] : memref<4x64x64xf32, #tpu.memory_space<vmem>> -> memref<1x64x64xf32, #tpu.memory_space<vmem>>
      %dma_wait3A_326 = tpu.memref_squeeze %dma_wait3A_325 : memref<1x64x64xf32, #tpu.memory_space<vmem>> -> memref<64x64xf32, #tpu.memory_space<vmem>>
      %dma_wait3A_327 = arith.constant 0 : i32
      %dma_wait3A_328 = tpu.memref_slice %arg8[%add3A_321, %dma_wait3A_327] : memref<100x64xi32, #tpu.memory_space<vmem>> -> memref<1x64xi32, #tpu.memory_space<vmem>>
      %dma_wait3A_329 = tpu.memref_squeeze %dma_wait3A_328 : memref<1x64xi32, #tpu.memory_space<vmem>> -> memref<64xi32, #tpu.memory_space<vmem>>
      %dma_wait3A_330 = arith.constant 0 : i32
      %dma_wait3A_331 = arith.constant 0 : i32
      %dma_wait3A_332 = tpu.memref_slice %arg4[%dma_wait3A_330, %dma_wait3A_331] : memref<100000x64xf32, #tpu.memory_space<hbm>> -> memref<100000x64xf32, #tpu.memory_space<hbm>>
      tpu.wait_indirect_dma semaphore(%arg13 : memref<!tpu.dma_semaphore, #tpu.memory_space<semaphore_mem>>) src(%dma_wait3A_332 : memref<100000x64xf32, #tpu.memory_space<hbm>>) dst(%dma_wait3A_326 : memref<64x64xf32, #tpu.memory_space<vmem>>)
      %mul3A_333 = arith.constant 4 : i32
      %mul3A_334 = arith.muli %mul3A_333, %scan3A_127 : i32
      %add3A_335 = arith.constant 1 : i32
      %add3A_336 = arith.addi %mul3A_334, %add3A_335 : i32
      %mul3A_337 = arith.constant 64 : i32
      %mul3A_338 = arith.muli %add3A_336, %mul3A_337 : i32
      %add3A_339 = arith.addi %mul3A_2, %mul3A_338 : i32
      %dma_start3A_340 = arith.constant 1 : i32
      %dma_start3A_341 = arith.constant 0 : i32
      %dma_start3A_342 = arith.constant 0 : i32
      %dma_start3A_343 = tpu.memref_slice %arg10[%dma_start3A_340, %dma_start3A_341, %dma_start3A_342] : memref<4x64x64xf32, #tpu.memory_space<vmem>> -> memref<1x64x64xf32, #tpu.memory_space<vmem>>
      %dma_start3A_344 = tpu.memref_squeeze %dma_start3A_343 : memref<1x64x64xf32, #tpu.memory_space<vmem>> -> memref<64x64xf32, #tpu.memory_space<vmem>>
      %dma_start3A_345 = arith.constant 0 : i32
      %dma_start3A_346 = tpu.memref_slice %arg6[%add3A_339, %dma_start3A_345] : memref<204800x64xf32, #tpu.memory_space<hbm>> -> memref<64x64xf32, #tpu.memory_space<hbm>>
      %dma_start3A_347 = arith.constant 0 : i32
      %dma_start3A_348 = tpu.memref_slice %arg6[%add3A_339, %dma_start3A_347] : memref<204800x64xf32, #tpu.memory_space<hbm>> -> memref<64x64xf32, #tpu.memory_space<hbm>>
      %dma_start3A_349 = arith.constant 0 : i32
      %dma_start3A_350 = arith.constant 0 : i32
      %dma_start3A_351 = tpu.memref_slice %arg10[%dma_start3A_340, %dma_start3A_349, %dma_start3A_350] : memref<4x64x64xf32, #tpu.memory_space<vmem>> -> memref<1x64x64xf32, #tpu.memory_space<vmem>>
      %dma_start3A_352 = tpu.memref_squeeze %dma_start3A_351 : memref<1x64x64xf32, #tpu.memory_space<vmem>> -> memref<64x64xf32, #tpu.memory_space<vmem>>
      tpu.enqueue_dma source(%dma_start3A_352 : memref<64x64xf32, #tpu.memory_space<vmem>>) target(%dma_start3A_348 : memref<64x64xf32, #tpu.memory_space<hbm>>) target_semaphore(%arg17 : memref<!tpu.dma_semaphore, #tpu.memory_space<semaphore_mem>>)
      %mul3A_353 = arith.constant 4 : i32
      %mul3A_354 = arith.muli %mul3A_353, %scan3A_127 : i32
      %add3A_355 = arith.constant 2 : i32
      %add3A_356 = arith.addi %mul3A_354, %add3A_355 : i32
      %dma_wait3A_357 = arith.constant 2 : i32
      %dma_wait3A_358 = arith.constant 0 : i32
      %dma_wait3A_359 = arith.constant 0 : i32
      %dma_wait3A_360 = tpu.memref_slice %arg10[%dma_wait3A_357, %dma_wait3A_358, %dma_wait3A_359] : memref<4x64x64xf32, #tpu.memory_space<vmem>> -> memref<1x64x64xf32, #tpu.memory_space<vmem>>
      %dma_wait3A_361 = tpu.memref_squeeze %dma_wait3A_360 : memref<1x64x64xf32, #tpu.memory_space<vmem>> -> memref<64x64xf32, #tpu.memory_space<vmem>>
      %dma_wait3A_362 = arith.constant 0 : i32
      %dma_wait3A_363 = tpu.memref_slice %arg8[%add3A_356, %dma_wait3A_362] : memref<100x64xi32, #tpu.memory_space<vmem>> -> memref<1x64xi32, #tpu.memory_space<vmem>>
      %dma_wait3A_364 = tpu.memref_squeeze %dma_wait3A_363 : memref<1x64xi32, #tpu.memory_space<vmem>> -> memref<64xi32, #tpu.memory_space<vmem>>
      %dma_wait3A_365 = arith.constant 0 : i32
      %dma_wait3A_366 = arith.constant 0 : i32
      %dma_wait3A_367 = tpu.memref_slice %arg4[%dma_wait3A_365, %dma_wait3A_366] : memref<100000x64xf32, #tpu.memory_space<hbm>> -> memref<100000x64xf32, #tpu.memory_space<hbm>>
      tpu.wait_indirect_dma semaphore(%arg14 : memref<!tpu.dma_semaphore, #tpu.memory_space<semaphore_mem>>) src(%dma_wait3A_367 : memref<100000x64xf32, #tpu.memory_space<hbm>>) dst(%dma_wait3A_361 : memref<64x64xf32, #tpu.memory_space<vmem>>)
      %mul3A_368 = arith.constant 4 : i32
      %mul3A_369 = arith.muli %mul3A_368, %scan3A_127 : i32
      %add3A_370 = arith.constant 2 : i32
      %add3A_371 = arith.addi %mul3A_369, %add3A_370 : i32
      %mul3A_372 = arith.constant 64 : i32
      %mul3A_373 = arith.muli %add3A_371, %mul3A_372 : i32
      %add3A_374 = arith.addi %mul3A_2, %mul3A_373 : i32
      %dma_start3A_375 = arith.constant 2 : i32
      %dma_start3A_376 = arith.constant 0 : i32
      %dma_start3A_377 = arith.constant 0 : i32
      %dma_start3A_378 = tpu.memref_slice %arg10[%dma_start3A_375, %dma_start3A_376, %dma_start3A_377] : memref<4x64x64xf32, #tpu.memory_space<vmem>> -> memref<1x64x64xf32, #tpu.memory_space<vmem>>
      %dma_start3A_379 = tpu.memref_squeeze %dma_start3A_378 : memref<1x64x64xf32, #tpu.memory_space<vmem>> -> memref<64x64xf32, #tpu.memory_space<vmem>>
      %dma_start3A_380 = arith.constant 0 : i32
      %dma_start3A_381 = tpu.memref_slice %arg6[%add3A_374, %dma_start3A_380] : memref<204800x64xf32, #tpu.memory_space<hbm>> -> memref<64x64xf32, #tpu.memory_space<hbm>>
      %dma_start3A_382 = arith.constant 0 : i32
      %dma_start3A_383 = tpu.memref_slice %arg6[%add3A_374, %dma_start3A_382] : memref<204800x64xf32, #tpu.memory_space<hbm>> -> memref<64x64xf32, #tpu.memory_space<hbm>>
      %dma_start3A_384 = arith.constant 0 : i32
      %dma_start3A_385 = arith.constant 0 : i32
      %dma_start3A_386 = tpu.memref_slice %arg10[%dma_start3A_375, %dma_start3A_384, %dma_start3A_385] : memref<4x64x64xf32, #tpu.memory_space<vmem>> -> memref<1x64x64xf32, #tpu.memory_space<vmem>>
      %dma_start3A_387 = tpu.memref_squeeze %dma_start3A_386 : memref<1x64x64xf32, #tpu.memory_space<vmem>> -> memref<64x64xf32, #tpu.memory_space<vmem>>
      tpu.enqueue_dma source(%dma_start3A_387 : memref<64x64xf32, #tpu.memory_space<vmem>>) target(%dma_start3A_383 : memref<64x64xf32, #tpu.memory_space<hbm>>) target_semaphore(%arg18 : memref<!tpu.dma_semaphore, #tpu.memory_space<semaphore_mem>>)
      %mul3A_388 = arith.constant 4 : i32
      %mul3A_389 = arith.muli %mul3A_388, %scan3A_127 : i32
      %add3A_390 = arith.constant 3 : i32
      %add3A_391 = arith.addi %mul3A_389, %add3A_390 : i32
      %dma_wait3A_392 = arith.constant 3 : i32
      %dma_wait3A_393 = arith.constant 0 : i32
      %dma_wait3A_394 = arith.constant 0 : i32
      %dma_wait3A_395 = tpu.memref_slice %arg10[%dma_wait3A_392, %dma_wait3A_393, %dma_wait3A_394] : memref<4x64x64xf32, #tpu.memory_space<vmem>> -> memref<1x64x64xf32, #tpu.memory_space<vmem>>
      %dma_wait3A_396 = tpu.memref_squeeze %dma_wait3A_395 : memref<1x64x64xf32, #tpu.memory_space<vmem>> -> memref<64x64xf32, #tpu.memory_space<vmem>>
      %dma_wait3A_397 = arith.constant 0 : i32
      %dma_wait3A_398 = tpu.memref_slice %arg8[%add3A_391, %dma_wait3A_397] : memref<100x64xi32, #tpu.memory_space<vmem>> -> memref<1x64xi32, #tpu.memory_space<vmem>>
      %dma_wait3A_399 = tpu.memref_squeeze %dma_wait3A_398 : memref<1x64xi32, #tpu.memory_space<vmem>> -> memref<64xi32, #tpu.memory_space<vmem>>
      %dma_wait3A_400 = arith.constant 0 : i32
      %dma_wait3A_401 = arith.constant 0 : i32
      %dma_wait3A_402 = tpu.memref_slice %arg4[%dma_wait3A_400, %dma_wait3A_401] : memref<100000x64xf32, #tpu.memory_space<hbm>> -> memref<100000x64xf32, #tpu.memory_space<hbm>>
      tpu.wait_indirect_dma semaphore(%arg15 : memref<!tpu.dma_semaphore, #tpu.memory_space<semaphore_mem>>) src(%dma_wait3A_402 : memref<100000x64xf32, #tpu.memory_space<hbm>>) dst(%dma_wait3A_396 : memref<64x64xf32, #tpu.memory_space<vmem>>)
      %mul3A_403 = arith.constant 4 : i32
      %mul3A_404 = arith.muli %mul3A_403, %scan3A_127 : i32
      %add3A_405 = arith.constant 3 : i32
      %add3A_406 = arith.addi %mul3A_404, %add3A_405 : i32
      %mul3A_407 = arith.constant 64 : i32
      %mul3A_408 = arith.muli %add3A_406, %mul3A_407 : i32
      %add3A_409 = arith.addi %mul3A_2, %mul3A_408 : i32
      %dma_start3A_410 = arith.constant 3 : i32
      %dma_start3A_411 = arith.constant 0 : i32
      %dma_start3A_412 = arith.constant 0 : i32
      %dma_start3A_413 = tpu.memref_slice %arg10[%dma_start3A_410, %dma_start3A_411, %dma_start3A_412] : memref<4x64x64xf32, #tpu.memory_space<vmem>> -> memref<1x64x64xf32, #tpu.memory_space<vmem>>
      %dma_start3A_414 = tpu.memref_squeeze %dma_start3A_413 : memref<1x64x64xf32, #tpu.memory_space<vmem>> -> memref<64x64xf32, #tpu.memory_space<vmem>>
      %dma_start3A_415 = arith.constant 0 : i32
      %dma_start3A_416 = tpu.memref_slice %arg6[%add3A_409, %dma_start3A_415] : memref<204800x64xf32, #tpu.memory_space<hbm>> -> memref<64x64xf32, #tpu.memory_space<hbm>>
      %dma_start3A_417 = arith.constant 0 : i32
      %dma_start3A_418 = tpu.memref_slice %arg6[%add3A_409, %dma_start3A_417] : memref<204800x64xf32, #tpu.memory_space<hbm>> -> memref<64x64xf32, #tpu.memory_space<hbm>>
      %dma_start3A_419 = arith.constant 0 : i32
      %dma_start3A_420 = arith.constant 0 : i32
      %dma_start3A_421 = tpu.memref_slice %arg10[%dma_start3A_410, %dma_start3A_419, %dma_start3A_420] : memref<4x64x64xf32, #tpu.memory_space<vmem>> -> memref<1x64x64xf32, #tpu.memory_space<vmem>>
      %dma_start3A_422 = tpu.memref_squeeze %dma_start3A_421 : memref<1x64x64xf32, #tpu.memory_space<vmem>> -> memref<64x64xf32, #tpu.memory_space<vmem>>
      tpu.enqueue_dma source(%dma_start3A_422 : memref<64x64xf32, #tpu.memory_space<vmem>>) target(%dma_start3A_418 : memref<64x64xf32, #tpu.memory_space<hbm>>) target_semaphore(%arg19 : memref<!tpu.dma_semaphore, #tpu.memory_space<semaphore_mem>>)
      %mul3A_423 = arith.constant 4 : i32
      %mul3A_424 = arith.muli %mul3A_423, %scan3A_127 : i32
      %add3A_425 = arith.constant 0 : i32
      %add3A_426 = arith.addi %mul3A_424, %add3A_425 : i32
      %dma_wait3A_427 = arith.constant 0 : i32
      %dma_wait3A_428 = arith.constant 0 : i32
      %dma_wait3A_429 = arith.constant 0 : i32
      %dma_wait3A_430 = tpu.memref_slice %arg11[%dma_wait3A_427, %dma_wait3A_428, %dma_wait3A_429] : memref<4x64x64xf32, #tpu.memory_space<vmem>> -> memref<1x64x64xf32, #tpu.memory_space<vmem>>
      %dma_wait3A_431 = tpu.memref_squeeze %dma_wait3A_430 : memref<1x64x64xf32, #tpu.memory_space<vmem>> -> memref<64x64xf32, #tpu.memory_space<vmem>>
      %dma_wait3A_432 = arith.constant 0 : i32
      %dma_wait3A_433 = tpu.memref_slice %arg9[%add3A_426, %dma_wait3A_432] : memref<100x64xi32, #tpu.memory_space<vmem>> -> memref<1x64xi32, #tpu.memory_space<vmem>>
      %dma_wait3A_434 = tpu.memref_squeeze %dma_wait3A_433 : memref<1x64xi32, #tpu.memory_space<vmem>> -> memref<64xi32, #tpu.memory_space<vmem>>
      %dma_wait3A_435 = arith.constant 0 : i32
      %dma_wait3A_436 = arith.constant 0 : i32
      %dma_wait3A_437 = tpu.memref_slice %arg5[%dma_wait3A_435, %dma_wait3A_436] : memref<1000x64xf32, #tpu.memory_space<hbm>> -> memref<1000x64xf32, #tpu.memory_space<hbm>>
      tpu.wait_indirect_dma semaphore(%arg20 : memref<!tpu.dma_semaphore, #tpu.memory_space<semaphore_mem>>) src(%dma_wait3A_437 : memref<1000x64xf32, #tpu.memory_space<hbm>>) dst(%dma_wait3A_431 : memref<64x64xf32, #tpu.memory_space<vmem>>)
      %mul3A_438 = arith.constant 64 : i32
      %mul3A_439 = arith.muli %add3A_426, %mul3A_438 : i32
      %add3A_440 = arith.addi %mul3A_2, %mul3A_439 : i32
      %dma_start3A_441 = arith.constant 0 : i32
      %dma_start3A_442 = arith.constant 0 : i32
      %dma_start3A_443 = arith.constant 0 : i32
      %dma_start3A_444 = tpu.memref_slice %arg11[%dma_start3A_441, %dma_start3A_442, %dma_start3A_443] : memref<4x64x64xf32, #tpu.memory_space<vmem>> -> memref<1x64x64xf32, #tpu.memory_space<vmem>>
      %dma_start3A_445 = tpu.memref_squeeze %dma_start3A_444 : memref<1x64x64xf32, #tpu.memory_space<vmem>> -> memref<64x64xf32, #tpu.memory_space<vmem>>
      %dma_start3A_446 = arith.constant 0 : i32
      %dma_start3A_447 = tpu.memref_slice %arg7[%add3A_440, %dma_start3A_446] : memref<204800x64xf32, #tpu.memory_space<hbm>> -> memref<64x64xf32, #tpu.memory_space<hbm>>
      %dma_start3A_448 = arith.constant 0 : i32
      %dma_start3A_449 = tpu.memref_slice %arg7[%add3A_440, %dma_start3A_448] : memref<204800x64xf32, #tpu.memory_space<hbm>> -> memref<64x64xf32, #tpu.memory_space<hbm>>
      %dma_start3A_450 = arith.constant 0 : i32
      %dma_start3A_451 = arith.constant 0 : i32
      %dma_start3A_452 = tpu.memref_slice %arg11[%dma_start3A_441, %dma_start3A_450, %dma_start3A_451] : memref<4x64x64xf32, #tpu.memory_space<vmem>> -> memref<1x64x64xf32, #tpu.memory_space<vmem>>
      %dma_start3A_453 = tpu.memref_squeeze %dma_start3A_452 : memref<1x64x64xf32, #tpu.memory_space<vmem>> -> memref<64x64xf32, #tpu.memory_space<vmem>>
      tpu.enqueue_dma source(%dma_start3A_453 : memref<64x64xf32, #tpu.memory_space<vmem>>) target(%dma_start3A_449 : memref<64x64xf32, #tpu.memory_space<hbm>>) target_semaphore(%arg24 : memref<!tpu.dma_semaphore, #tpu.memory_space<semaphore_mem>>)
      %mul3A_454 = arith.constant 4 : i32
      %mul3A_455 = arith.muli %mul3A_454, %scan3A_127 : i32
      %add3A_456 = arith.constant 1 : i32
      %add3A_457 = arith.addi %mul3A_455, %add3A_456 : i32
      %dma_wait3A_458 = arith.constant 1 : i32
      %dma_wait3A_459 = arith.constant 0 : i32
      %dma_wait3A_460 = arith.constant 0 : i32
      %dma_wait3A_461 = tpu.memref_slice %arg11[%dma_wait3A_458, %dma_wait3A_459, %dma_wait3A_460] : memref<4x64x64xf32, #tpu.memory_space<vmem>> -> memref<1x64x64xf32, #tpu.memory_space<vmem>>
      %dma_wait3A_462 = tpu.memref_squeeze %dma_wait3A_461 : memref<1x64x64xf32, #tpu.memory_space<vmem>> -> memref<64x64xf32, #tpu.memory_space<vmem>>
      %dma_wait3A_463 = arith.constant 0 : i32
      %dma_wait3A_464 = tpu.memref_slice %arg9[%add3A_457, %dma_wait3A_463] : memref<100x64xi32, #tpu.memory_space<vmem>> -> memref<1x64xi32, #tpu.memory_space<vmem>>
      %dma_wait3A_465 = tpu.memref_squeeze %dma_wait3A_464 : memref<1x64xi32, #tpu.memory_space<vmem>> -> memref<64xi32, #tpu.memory_space<vmem>>
      %dma_wait3A_466 = arith.constant 0 : i32
      %dma_wait3A_467 = arith.constant 0 : i32
      %dma_wait3A_468 = tpu.memref_slice %arg5[%dma_wait3A_466, %dma_wait3A_467] : memref<1000x64xf32, #tpu.memory_space<hbm>> -> memref<1000x64xf32, #tpu.memory_space<hbm>>
      tpu.wait_indirect_dma semaphore(%arg21 : memref<!tpu.dma_semaphore, #tpu.memory_space<semaphore_mem>>) src(%dma_wait3A_468 : memref<1000x64xf32, #tpu.memory_space<hbm>>) dst(%dma_wait3A_462 : memref<64x64xf32, #tpu.memory_space<vmem>>)
      %mul3A_469 = arith.constant 64 : i32
      %mul3A_470 = arith.muli %add3A_457, %mul3A_469 : i32
      %add3A_471 = arith.addi %mul3A_2, %mul3A_470 : i32
      %dma_start3A_472 = arith.constant 1 : i32
      %dma_start3A_473 = arith.constant 0 : i32
      %dma_start3A_474 = arith.constant 0 : i32
      %dma_start3A_475 = tpu.memref_slice %arg11[%dma_start3A_472, %dma_start3A_473, %dma_start3A_474] : memref<4x64x64xf32, #tpu.memory_space<vmem>> -> memref<1x64x64xf32, #tpu.memory_space<vmem>>
      %dma_start3A_476 = tpu.memref_squeeze %dma_start3A_475 : memref<1x64x64xf32, #tpu.memory_space<vmem>> -> memref<64x64xf32, #tpu.memory_space<vmem>>
      %dma_start3A_477 = arith.constant 0 : i32
      %dma_start3A_478 = tpu.memref_slice %arg7[%add3A_471, %dma_start3A_477] : memref<204800x64xf32, #tpu.memory_space<hbm>> -> memref<64x64xf32, #tpu.memory_space<hbm>>
      %dma_start3A_479 = arith.constant 0 : i32
      %dma_start3A_480 = tpu.memref_slice %arg7[%add3A_471, %dma_start3A_479] : memref<204800x64xf32, #tpu.memory_space<hbm>> -> memref<64x64xf32, #tpu.memory_space<hbm>>
      %dma_start3A_481 = arith.constant 0 : i32
      %dma_start3A_482 = arith.constant 0 : i32
      %dma_start3A_483 = tpu.memref_slice %arg11[%dma_start3A_472, %dma_start3A_481, %dma_start3A_482] : memref<4x64x64xf32, #tpu.memory_space<vmem>> -> memref<1x64x64xf32, #tpu.memory_space<vmem>>
      %dma_start3A_484 = tpu.memref_squeeze %dma_start3A_483 : memref<1x64x64xf32, #tpu.memory_space<vmem>> -> memref<64x64xf32, #tpu.memory_space<vmem>>
      tpu.enqueue_dma source(%dma_start3A_484 : memref<64x64xf32, #tpu.memory_space<vmem>>) target(%dma_start3A_480 : memref<64x64xf32, #tpu.memory_space<hbm>>) target_semaphore(%arg24 : memref<!tpu.dma_semaphore, #tpu.memory_space<semaphore_mem>>)
      %mul3A_485 = arith.constant 4 : i32
      %mul3A_486 = arith.muli %mul3A_485, %scan3A_127 : i32
      %add3A_487 = arith.constant 2 : i32
      %add3A_488 = arith.addi %mul3A_486, %add3A_487 : i32
      %dma_wait3A_489 = arith.constant 2 : i32
      %dma_wait3A_490 = arith.constant 0 : i32
      %dma_wait3A_491 = arith.constant 0 : i32
      %dma_wait3A_492 = tpu.memref_slice %arg11[%dma_wait3A_489, %dma_wait3A_490, %dma_wait3A_491] : memref<4x64x64xf32, #tpu.memory_space<vmem>> -> memref<1x64x64xf32, #tpu.memory_space<vmem>>
      %dma_wait3A_493 = tpu.memref_squeeze %dma_wait3A_492 : memref<1x64x64xf32, #tpu.memory_space<vmem>> -> memref<64x64xf32, #tpu.memory_space<vmem>>
      %dma_wait3A_494 = arith.constant 0 : i32
      %dma_wait3A_495 = tpu.memref_slice %arg9[%add3A_488, %dma_wait3A_494] : memref<100x64xi32, #tpu.memory_space<vmem>> -> memref<1x64xi32, #tpu.memory_space<vmem>>
      %dma_wait3A_496 = tpu.memref_squeeze %dma_wait3A_495 : memref<1x64xi32, #tpu.memory_space<vmem>> -> memref<64xi32, #tpu.memory_space<vmem>>
      %dma_wait3A_497 = arith.constant 0 : i32
      %dma_wait3A_498 = arith.constant 0 : i32
      %dma_wait3A_499 = tpu.memref_slice %arg5[%dma_wait3A_497, %dma_wait3A_498] : memref<1000x64xf32, #tpu.memory_space<hbm>> -> memref<1000x64xf32, #tpu.memory_space<hbm>>
      tpu.wait_indirect_dma semaphore(%arg22 : memref<!tpu.dma_semaphore, #tpu.memory_space<semaphore_mem>>) src(%dma_wait3A_499 : memref<1000x64xf32, #tpu.memory_space<hbm>>) dst(%dma_wait3A_493 : memref<64x64xf32, #tpu.memory_space<vmem>>)
      %mul3A_500 = arith.constant 64 : i32
      %mul3A_501 = arith.muli %add3A_488, %mul3A_500 : i32
      %add3A_502 = arith.addi %mul3A_2, %mul3A_501 : i32
      %dma_start3A_503 = arith.constant 2 : i32
      %dma_start3A_504 = arith.constant 0 : i32
      %dma_start3A_505 = arith.constant 0 : i32
      %dma_start3A_506 = tpu.memref_slice %arg11[%dma_start3A_503, %dma_start3A_504, %dma_start3A_505] : memref<4x64x64xf32, #tpu.memory_space<vmem>> -> memref<1x64x64xf32, #tpu.memory_space<vmem>>
      %dma_start3A_507 = tpu.memref_squeeze %dma_start3A_506 : memref<1x64x64xf32, #tpu.memory_space<vmem>> -> memref<64x64xf32, #tpu.memory_space<vmem>>
      %dma_start3A_508 = arith.constant 0 : i32
      %dma_start3A_509 = tpu.memref_slice %arg7[%add3A_502, %dma_start3A_508] : memref<204800x64xf32, #tpu.memory_space<hbm>> -> memref<64x64xf32, #tpu.memory_space<hbm>>
      %dma_start3A_510 = arith.constant 0 : i32
      %dma_start3A_511 = tpu.memref_slice %arg7[%add3A_502, %dma_start3A_510] : memref<204800x64xf32, #tpu.memory_space<hbm>> -> memref<64x64xf32, #tpu.memory_space<hbm>>
      %dma_start3A_512 = arith.constant 0 : i32
      %dma_start3A_513 = arith.constant 0 : i32
      %dma_start3A_514 = tpu.memref_slice %arg11[%dma_start3A_503, %dma_start3A_512, %dma_start3A_513] : memref<4x64x64xf32, #tpu.memory_space<vmem>> -> memref<1x64x64xf32, #tpu.memory_space<vmem>>
      %dma_start3A_515 = tpu.memref_squeeze %dma_start3A_514 : memref<1x64x64xf32, #tpu.memory_space<vmem>> -> memref<64x64xf32, #tpu.memory_space<vmem>>
      tpu.enqueue_dma source(%dma_start3A_515 : memref<64x64xf32, #tpu.memory_space<vmem>>) target(%dma_start3A_511 : memref<64x64xf32, #tpu.memory_space<hbm>>) target_semaphore(%arg24 : memref<!tpu.dma_semaphore, #tpu.memory_space<semaphore_mem>>)
      %mul3A_516 = arith.constant 4 : i32
      %mul3A_517 = arith.muli %mul3A_516, %scan3A_127 : i32
      %add3A_518 = arith.constant 3 : i32
      %add3A_519 = arith.addi %mul3A_517, %add3A_518 : i32
      %dma_wait3A_520 = arith.constant 3 : i32
      %dma_wait3A_521 = arith.constant 0 : i32
      %dma_wait3A_522 = arith.constant 0 : i32
      %dma_wait3A_523 = tpu.memref_slice %arg11[%dma_wait3A_520, %dma_wait3A_521, %dma_wait3A_522] : memref<4x64x64xf32, #tpu.memory_space<vmem>> -> memref<1x64x64xf32, #tpu.memory_space<vmem>>
      %dma_wait3A_524 = tpu.memref_squeeze %dma_wait3A_523 : memref<1x64x64xf32, #tpu.memory_space<vmem>> -> memref<64x64xf32, #tpu.memory_space<vmem>>
      %dma_wait3A_525 = arith.constant 0 : i32
      %dma_wait3A_526 = tpu.memref_slice %arg9[%add3A_519, %dma_wait3A_525] : memref<100x64xi32, #tpu.memory_space<vmem>> -> memref<1x64xi32, #tpu.memory_space<vmem>>
      %dma_wait3A_527 = tpu.memref_squeeze %dma_wait3A_526 : memref<1x64xi32, #tpu.memory_space<vmem>> -> memref<64xi32, #tpu.memory_space<vmem>>
      %dma_wait3A_528 = arith.constant 0 : i32
      %dma_wait3A_529 = arith.constant 0 : i32
      %dma_wait3A_530 = tpu.memref_slice %arg5[%dma_wait3A_528, %dma_wait3A_529] : memref<1000x64xf32, #tpu.memory_space<hbm>> -> memref<1000x64xf32, #tpu.memory_space<hbm>>
      tpu.wait_indirect_dma semaphore(%arg23 : memref<!tpu.dma_semaphore, #tpu.memory_space<semaphore_mem>>) src(%dma_wait3A_530 : memref<1000x64xf32, #tpu.memory_space<hbm>>) dst(%dma_wait3A_524 : memref<64x64xf32, #tpu.memory_space<vmem>>)
      %mul3A_531 = arith.constant 64 : i32
      %mul3A_532 = arith.muli %add3A_519, %mul3A_531 : i32
      %add3A_533 = arith.addi %mul3A_2, %mul3A_532 : i32
      %dma_start3A_534 = arith.constant 3 : i32
      %dma_start3A_535 = arith.constant 0 : i32
      %dma_start3A_536 = arith.constant 0 : i32
      %dma_start3A_537 = tpu.memref_slice %arg11[%dma_start3A_534, %dma_start3A_535, %dma_start3A_536] : memref<4x64x64xf32, #tpu.memory_space<vmem>> -> memref<1x64x64xf32, #tpu.memory_space<vmem>>
      %dma_start3A_538 = tpu.memref_squeeze %dma_start3A_537 : memref<1x64x64xf32, #tpu.memory_space<vmem>> -> memref<64x64xf32, #tpu.memory_space<vmem>>
      %dma_start3A_539 = arith.constant 0 : i32
      %dma_start3A_540 = tpu.memref_slice %arg7[%add3A_533, %dma_start3A_539] : memref<204800x64xf32, #tpu.memory_space<hbm>> -> memref<64x64xf32, #tpu.memory_space<hbm>>
      %dma_start3A_541 = arith.constant 0 : i32
      %dma_start3A_542 = tpu.memref_slice %arg7[%add3A_533, %dma_start3A_541] : memref<204800x64xf32, #tpu.memory_space<hbm>> -> memref<64x64xf32, #tpu.memory_space<hbm>>
      %dma_start3A_543 = arith.constant 0 : i32
      %dma_start3A_544 = arith.constant 0 : i32
      %dma_start3A_545 = tpu.memref_slice %arg11[%dma_start3A_534, %dma_start3A_543, %dma_start3A_544] : memref<4x64x64xf32, #tpu.memory_space<vmem>> -> memref<1x64x64xf32, #tpu.memory_space<vmem>>
      %dma_start3A_546 = tpu.memref_squeeze %dma_start3A_545 : memref<1x64x64xf32, #tpu.memory_space<vmem>> -> memref<64x64xf32, #tpu.memory_space<vmem>>
      tpu.enqueue_dma source(%dma_start3A_546 : memref<64x64xf32, #tpu.memory_space<vmem>>) target(%dma_start3A_542 : memref<64x64xf32, #tpu.memory_space<hbm>>) target_semaphore(%arg24 : memref<!tpu.dma_semaphore, #tpu.memory_space<semaphore_mem>>)
    }
    %scan3A_7 = arith.constant 25 : i32
    %add3A_8 = arith.constant 6144 : i32
    %add3A_9 = arith.addi %mul3A_2, %add3A_8 : i32
    %dma_wait3A = arith.constant 0 : i32
    %dma_wait3A_10 = arith.constant 0 : i32
    %dma_wait3A_11 = arith.constant 0 : i32
    %dma_wait3A_12 = tpu.memref_slice %arg10[%dma_wait3A, %dma_wait3A_10, %dma_wait3A_11] : memref<4x64x64xf32, #tpu.memory_space<vmem>> -> memref<1x64x64xf32, #tpu.memory_space<vmem>>
    %dma_wait3A_13 = tpu.memref_squeeze %dma_wait3A_12 : memref<1x64x64xf32, #tpu.memory_space<vmem>> -> memref<64x64xf32, #tpu.memory_space<vmem>>
    %dma_wait3A_14 = arith.constant 0 : i32
    %dma_wait3A_15 = tpu.memref_slice %arg6[%add3A_9, %dma_wait3A_14] : memref<204800x64xf32, #tpu.memory_space<hbm>> -> memref<64x64xf32, #tpu.memory_space<hbm>>
    %dma_wait3A_16 = arith.constant 0 : i32
    %dma_wait3A_17 = tpu.memref_slice %arg6[%add3A_9, %dma_wait3A_16] : memref<204800x64xf32, #tpu.memory_space<hbm>> -> memref<64x64xf32, #tpu.memory_space<hbm>>
    %dma_wait3A_18 = arith.constant 0 : i32
    %dma_wait3A_19 = arith.constant 0 : i32
    %dma_wait3A_20 = tpu.memref_slice %arg10[%dma_wait3A, %dma_wait3A_18, %dma_wait3A_19] : memref<4x64x64xf32, #tpu.memory_space<vmem>> -> memref<1x64x64xf32, #tpu.memory_space<vmem>>
    %dma_wait3A_21 = tpu.memref_squeeze %dma_wait3A_20 : memref<1x64x64xf32, #tpu.memory_space<vmem>> -> memref<64x64xf32, #tpu.memory_space<vmem>>
    tpu.wait_dma2 semaphore(%arg16 : memref<!tpu.dma_semaphore, #tpu.memory_space<semaphore_mem>>) src(%dma_wait3A_21 : memref<64x64xf32, #tpu.memory_space<vmem>>) dst(%dma_wait3A_17 : memref<64x64xf32, #tpu.memory_space<hbm>>)
    %add3A_22 = arith.constant 6208 : i32
    %add3A_23 = arith.addi %mul3A_2, %add3A_22 : i32
    %dma_wait3A_24 = arith.constant 1 : i32
    %dma_wait3A_25 = arith.constant 0 : i32
    %dma_wait3A_26 = arith.constant 0 : i32
    %dma_wait3A_27 = tpu.memref_slice %arg10[%dma_wait3A_24, %dma_wait3A_25, %dma_wait3A_26] : memref<4x64x64xf32, #tpu.memory_space<vmem>> -> memref<1x64x64xf32, #tpu.memory_space<vmem>>
    %dma_wait3A_28 = tpu.memref_squeeze %dma_wait3A_27 : memref<1x64x64xf32, #tpu.memory_space<vmem>> -> memref<64x64xf32, #tpu.memory_space<vmem>>
    %dma_wait3A_29 = arith.constant 0 : i32
    %dma_wait3A_30 = tpu.memref_slice %arg6[%add3A_23, %dma_wait3A_29] : memref<204800x64xf32, #tpu.memory_space<hbm>> -> memref<64x64xf32, #tpu.memory_space<hbm>>
    %dma_wait3A_31 = arith.constant 0 : i32
    %dma_wait3A_32 = tpu.memref_slice %arg6[%add3A_23, %dma_wait3A_31] : memref<204800x64xf32, #tpu.memory_space<hbm>> -> memref<64x64xf32, #tpu.memory_space<hbm>>
    %dma_wait3A_33 = arith.constant 0 : i32
    %dma_wait3A_34 = arith.constant 0 : i32
    %dma_wait3A_35 = tpu.memref_slice %arg10[%dma_wait3A_24, %dma_wait3A_33, %dma_wait3A_34] : memref<4x64x64xf32, #tpu.memory_space<vmem>> -> memref<1x64x64xf32, #tpu.memory_space<vmem>>
    %dma_wait3A_36 = tpu.memref_squeeze %dma_wait3A_35 : memref<1x64x64xf32, #tpu.memory_space<vmem>> -> memref<64x64xf32, #tpu.memory_space<vmem>>
    tpu.wait_dma2 semaphore(%arg17 : memref<!tpu.dma_semaphore, #tpu.memory_space<semaphore_mem>>) src(%dma_wait3A_36 : memref<64x64xf32, #tpu.memory_space<vmem>>) dst(%dma_wait3A_32 : memref<64x64xf32, #tpu.memory_space<hbm>>)
    %add3A_37 = arith.constant 6272 : i32
    %add3A_38 = arith.addi %mul3A_2, %add3A_37 : i32
    %dma_wait3A_39 = arith.constant 2 : i32
    %dma_wait3A_40 = arith.constant 0 : i32
    %dma_wait3A_41 = arith.constant 0 : i32
    %dma_wait3A_42 = tpu.memref_slice %arg10[%dma_wait3A_39, %dma_wait3A_40, %dma_wait3A_41] : memref<4x64x64xf32, #tpu.memory_space<vmem>> -> memref<1x64x64xf32, #tpu.memory_space<vmem>>
    %dma_wait3A_43 = tpu.memref_squeeze %dma_wait3A_42 : memref<1x64x64xf32, #tpu.memory_space<vmem>> -> memref<64x64xf32, #tpu.memory_space<vmem>>
    %dma_wait3A_44 = arith.constant 0 : i32
    %dma_wait3A_45 = tpu.memref_slice %arg6[%add3A_38, %dma_wait3A_44] : memref<204800x64xf32, #tpu.memory_space<hbm>> -> memref<64x64xf32, #tpu.memory_space<hbm>>
    %dma_wait3A_46 = arith.constant 0 : i32
    %dma_wait3A_47 = tpu.memref_slice %arg6[%add3A_38, %dma_wait3A_46] : memref<204800x64xf32, #tpu.memory_space<hbm>> -> memref<64x64xf32, #tpu.memory_space<hbm>>
    %dma_wait3A_48 = arith.constant 0 : i32
    %dma_wait3A_49 = arith.constant 0 : i32
    %dma_wait3A_50 = tpu.memref_slice %arg10[%dma_wait3A_39, %dma_wait3A_48, %dma_wait3A_49] : memref<4x64x64xf32, #tpu.memory_space<vmem>> -> memref<1x64x64xf32, #tpu.memory_space<vmem>>
    %dma_wait3A_51 = tpu.memref_squeeze %dma_wait3A_50 : memref<1x64x64xf32, #tpu.memory_space<vmem>> -> memref<64x64xf32, #tpu.memory_space<vmem>>
    tpu.wait_dma2 semaphore(%arg18 : memref<!tpu.dma_semaphore, #tpu.memory_space<semaphore_mem>>) src(%dma_wait3A_51 : memref<64x64xf32, #tpu.memory_space<vmem>>) dst(%dma_wait3A_47 : memref<64x64xf32, #tpu.memory_space<hbm>>)
    %add3A_52 = arith.constant 6336 : i32
    %add3A_53 = arith.addi %mul3A_2, %add3A_52 : i32
    %dma_wait3A_54 = arith.constant 3 : i32
    %dma_wait3A_55 = arith.constant 0 : i32
    %dma_wait3A_56 = arith.constant 0 : i32
    %dma_wait3A_57 = tpu.memref_slice %arg10[%dma_wait3A_54, %dma_wait3A_55, %dma_wait3A_56] : memref<4x64x64xf32, #tpu.memory_space<vmem>> -> memref<1x64x64xf32, #tpu.memory_space<vmem>>
    %dma_wait3A_58 = tpu.memref_squeeze %dma_wait3A_57 : memref<1x64x64xf32, #tpu.memory_space<vmem>> -> memref<64x64xf32, #tpu.memory_space<vmem>>
    %dma_wait3A_59 = arith.constant 0 : i32
    %dma_wait3A_60 = tpu.memref_slice %arg6[%add3A_53, %dma_wait3A_59] : memref<204800x64xf32, #tpu.memory_space<hbm>> -> memref<64x64xf32, #tpu.memory_space<hbm>>
    %dma_wait3A_61 = arith.constant 0 : i32
    %dma_wait3A_62 = tpu.memref_slice %arg6[%add3A_53, %dma_wait3A_61] : memref<204800x64xf32, #tpu.memory_space<hbm>> -> memref<64x64xf32, #tpu.memory_space<hbm>>
    %dma_wait3A_63 = arith.constant 0 : i32
    %dma_wait3A_64 = arith.constant 0 : i32
    %dma_wait3A_65 = tpu.memref_slice %arg10[%dma_wait3A_54, %dma_wait3A_63, %dma_wait3A_64] : memref<4x64x64xf32, #tpu.memory_space<vmem>> -> memref<1x64x64xf32, #tpu.memory_space<vmem>>
    %dma_wait3A_66 = tpu.memref_squeeze %dma_wait3A_65 : memref<1x64x64xf32, #tpu.memory_space<vmem>> -> memref<64x64xf32, #tpu.memory_space<vmem>>
    tpu.wait_dma2 semaphore(%arg19 : memref<!tpu.dma_semaphore, #tpu.memory_space<semaphore_mem>>) src(%dma_wait3A_66 : memref<64x64xf32, #tpu.memory_space<vmem>>) dst(%dma_wait3A_62 : memref<64x64xf32, #tpu.memory_space<hbm>>)
    %add3A_67 = arith.constant 6144 : i32
    %add3A_68 = arith.addi %mul3A_2, %add3A_67 : i32
    %dma_wait3A_69 = arith.constant 0 : i32
    %dma_wait3A_70 = arith.constant 0 : i32
    %dma_wait3A_71 = arith.constant 0 : i32
    %dma_wait3A_72 = tpu.memref_slice %arg11[%dma_wait3A_69, %dma_wait3A_70, %dma_wait3A_71] : memref<4x64x64xf32, #tpu.memory_space<vmem>> -> memref<1x64x64xf32, #tpu.memory_space<vmem>>
    %dma_wait3A_73 = tpu.memref_squeeze %dma_wait3A_72 : memref<1x64x64xf32, #tpu.memory_space<vmem>> -> memref<64x64xf32, #tpu.memory_space<vmem>>
    %dma_wait3A_74 = arith.constant 0 : i32
    %dma_wait3A_75 = tpu.memref_slice %arg7[%add3A_68, %dma_wait3A_74] : memref<204800x64xf32, #tpu.memory_space<hbm>> -> memref<64x64xf32, #tpu.memory_space<hbm>>
    %dma_wait3A_76 = arith.constant 0 : i32
    %dma_wait3A_77 = tpu.memref_slice %arg7[%add3A_68, %dma_wait3A_76] : memref<204800x64xf32, #tpu.memory_space<hbm>> -> memref<64x64xf32, #tpu.memory_space<hbm>>
    %dma_wait3A_78 = arith.constant 0 : i32
    %dma_wait3A_79 = arith.constant 0 : i32
    %dma_wait3A_80 = tpu.memref_slice %arg11[%dma_wait3A_69, %dma_wait3A_78, %dma_wait3A_79] : memref<4x64x64xf32, #tpu.memory_space<vmem>> -> memref<1x64x64xf32, #tpu.memory_space<vmem>>
    %dma_wait3A_81 = tpu.memref_squeeze %dma_wait3A_80 : memref<1x64x64xf32, #tpu.memory_space<vmem>> -> memref<64x64xf32, #tpu.memory_space<vmem>>
    tpu.wait_dma2 semaphore(%arg24 : memref<!tpu.dma_semaphore, #tpu.memory_space<semaphore_mem>>) src(%dma_wait3A_81 : memref<64x64xf32, #tpu.memory_space<vmem>>) dst(%dma_wait3A_77 : memref<64x64xf32, #tpu.memory_space<hbm>>)
    %add3A_82 = arith.constant 6208 : i32
    %add3A_83 = arith.addi %mul3A_2, %add3A_82 : i32
    %dma_wait3A_84 = arith.constant 1 : i32
    %dma_wait3A_85 = arith.constant 0 : i32
    %dma_wait3A_86 = arith.constant 0 : i32
    %dma_wait3A_87 = tpu.memref_slice %arg11[%dma_wait3A_84, %dma_wait3A_85, %dma_wait3A_86] : memref<4x64x64xf32, #tpu.memory_space<vmem>> -> memref<1x64x64xf32, #tpu.memory_space<vmem>>
    %dma_wait3A_88 = tpu.memref_squeeze %dma_wait3A_87 : memref<1x64x64xf32, #tpu.memory_space<vmem>> -> memref<64x64xf32, #tpu.memory_space<vmem>>
    %dma_wait3A_89 = arith.constant 0 : i32
    %dma_wait3A_90 = tpu.memref_slice %arg7[%add3A_83, %dma_wait3A_89] : memref<204800x64xf32, #tpu.memory_space<hbm>> -> memref<64x64xf32, #tpu.memory_space<hbm>>
    %dma_wait3A_91 = arith.constant 0 : i32
    %dma_wait3A_92 = tpu.memref_slice %arg7[%add3A_83, %dma_wait3A_91] : memref<204800x64xf32, #tpu.memory_space<hbm>> -> memref<64x64xf32, #tpu.memory_space<hbm>>
    %dma_wait3A_93 = arith.constant 0 : i32
    %dma_wait3A_94 = arith.constant 0 : i32
    %dma_wait3A_95 = tpu.memref_slice %arg11[%dma_wait3A_84, %dma_wait3A_93, %dma_wait3A_94] : memref<4x64x64xf32, #tpu.memory_space<vmem>> -> memref<1x64x64xf32, #tpu.memory_space<vmem>>
    %dma_wait3A_96 = tpu.memref_squeeze %dma_wait3A_95 : memref<1x64x64xf32, #tpu.memory_space<vmem>> -> memref<64x64xf32, #tpu.memory_space<vmem>>
    tpu.wait_dma2 semaphore(%arg24 : memref<!tpu.dma_semaphore, #tpu.memory_space<semaphore_mem>>) src(%dma_wait3A_96 : memref<64x64xf32, #tpu.memory_space<vmem>>) dst(%dma_wait3A_92 : memref<64x64xf32, #tpu.memory_space<hbm>>)
    %add3A_97 = arith.constant 6272 : i32
    %add3A_98 = arith.addi %mul3A_2, %add3A_97 : i32
    %dma_wait3A_99 = arith.constant 2 : i32
    %dma_wait3A_100 = arith.constant 0 : i32
    %dma_wait3A_101 = arith.constant 0 : i32
    %dma_wait3A_102 = tpu.memref_slice %arg11[%dma_wait3A_99, %dma_wait3A_100, %dma_wait3A_101] : memref<4x64x64xf32, #tpu.memory_space<vmem>> -> memref<1x64x64xf32, #tpu.memory_space<vmem>>
    %dma_wait3A_103 = tpu.memref_squeeze %dma_wait3A_102 : memref<1x64x64xf32, #tpu.memory_space<vmem>> -> memref<64x64xf32, #tpu.memory_space<vmem>>
    %dma_wait3A_104 = arith.constant 0 : i32
    %dma_wait3A_105 = tpu.memref_slice %arg7[%add3A_98, %dma_wait3A_104] : memref<204800x64xf32, #tpu.memory_space<hbm>> -> memref<64x64xf32, #tpu.memory_space<hbm>>
    %dma_wait3A_106 = arith.constant 0 : i32
    %dma_wait3A_107 = tpu.memref_slice %arg7[%add3A_98, %dma_wait3A_106] : memref<204800x64xf32, #tpu.memory_space<hbm>> -> memref<64x64xf32, #tpu.memory_space<hbm>>
    %dma_wait3A_108 = arith.constant 0 : i32
    %dma_wait3A_109 = arith.constant 0 : i32
    %dma_wait3A_110 = tpu.memref_slice %arg11[%dma_wait3A_99, %dma_wait3A_108, %dma_wait3A_109] : memref<4x64x64xf32, #tpu.memory_space<vmem>> -> memref<1x64x64xf32, #tpu.memory_space<vmem>>
    %dma_wait3A_111 = tpu.memref_squeeze %dma_wait3A_110 : memref<1x64x64xf32, #tpu.memory_space<vmem>> -> memref<64x64xf32, #tpu.memory_space<vmem>>
    tpu.wait_dma2 semaphore(%arg24 : memref<!tpu.dma_semaphore, #tpu.memory_space<semaphore_mem>>) src(%dma_wait3A_111 : memref<64x64xf32, #tpu.memory_space<vmem>>) dst(%dma_wait3A_107 : memref<64x64xf32, #tpu.memory_space<hbm>>)
    %add3A_112 = arith.constant 6336 : i32
    %add3A_113 = arith.addi %mul3A_2, %add3A_112 : i32
    %dma_wait3A_114 = arith.constant 3 : i32
    %dma_wait3A_115 = arith.constant 0 : i32
    %dma_wait3A_116 = arith.constant 0 : i32
    %dma_wait3A_117 = tpu.memref_slice %arg11[%dma_wait3A_114, %dma_wait3A_115, %dma_wait3A_116] : memref<4x64x64xf32, #tpu.memory_space<vmem>> -> memref<1x64x64xf32, #tpu.memory_space<vmem>>
    %dma_wait3A_118 = tpu.memref_squeeze %dma_wait3A_117 : memref<1x64x64xf32, #tpu.memory_space<vmem>> -> memref<64x64xf32, #tpu.memory_space<vmem>>
    %dma_wait3A_119 = arith.constant 0 : i32
    %dma_wait3A_120 = tpu.memref_slice %arg7[%add3A_113, %dma_wait3A_119] : memref<204800x64xf32, #tpu.memory_space<hbm>> -> memref<64x64xf32, #tpu.memory_space<hbm>>
    %dma_wait3A_121 = arith.constant 0 : i32
    %dma_wait3A_122 = tpu.memref_slice %arg7[%add3A_113, %dma_wait3A_121] : memref<204800x64xf32, #tpu.memory_space<hbm>> -> memref<64x64xf32, #tpu.memory_space<hbm>>
    %dma_wait3A_123 = arith.constant 0 : i32
    %dma_wait3A_124 = arith.constant 0 : i32
    %dma_wait3A_125 = tpu.memref_slice %arg11[%dma_wait3A_114, %dma_wait3A_123, %dma_wait3A_124] : memref<4x64x64xf32, #tpu.memory_space<vmem>> -> memref<1x64x64xf32, #tpu.memory_space<vmem>>
    %dma_wait3A_126 = tpu.memref_squeeze %dma_wait3A_125 : memref<1x64x64xf32, #tpu.memory_space<vmem>> -> memref<64x64xf32, #tpu.memory_space<vmem>>
    tpu.wait_dma2 semaphore(%arg24 : memref<!tpu.dma_semaphore, #tpu.memory_space<semaphore_mem>>) src(%dma_wait3A_126 : memref<64x64xf32, #tpu.memory_space<vmem>>) dst(%dma_wait3A_122 : memref<64x64xf32, #tpu.memory_space<hbm>>)
    return
  }
}

</mosaic_0001>

<sc_bundles>
// kernel: _tree_embedding.3.cloned.1.call-start
scs
__scs_entry_jumppad:
0x0: {  	(pc) =	sbr.rel $0x88, $3  }
0x1: {  	(tag) =	ssettag $0x0;
	lr =	simm.s32 $0x1  }
0x2: {  	[smem:$0x3F9D] =	sst lr;
	_ =	strace $0xD0000000  }
0x3: {  	_ = 	snop  }
0x4: {  	_ = 	snop  }
0x5: {  	_ = 	snop  }
0x6: {  	_ = 	snop  }
0x7: {  	_ = 	snop  }
__scs_overlays_trampoline_lowered:
0x8: {  	[smem:$0x3FAC] =	sst s0  }
0x9: {  	[smem:$0x3FAD] =	sst s1  }
0xa: {  	[smem:$0x3FAE] =	sst s2  }
0xb: {  	[smem:$0x3FAF] =	sst s3  }
0xc: {  	[smem:$0x3FB0] =	sst s4  }
0xd: {  	[smem:$0x3FB1] =	sst s5  }
0xe: {  	[smem:$0x3FB2] =	sst s6  }
0xf: {  	[smem:$0x3FB3] =	sst s7  }
0x10: {  	[smem:$0x3FB4] =	sst s8  }
0x11: {  	[smem:$0x3FB5] =	sst s9;
	s0 =	simm.s32 @!p0 $0x0  }
0x12: {  	s1 =	sld [smem:$0x3F9B];
	s0 =	simm.s32 @p0 $0x1  }
0x13: {  	[smem:$0x3FB6] =	sst s0;
	s0 =	simm.s32 @!p1 $0x0  }
0x14: {  	s2 =	sld [smem:$0x3F9A];
	s0 =	simm.s32 @p1 $0x1  }
0x15: {  	[smem:$0x3FB7] =	sst s0;
	s0 =	simm.s32 @!p2 $0x0  }
0x16: {  	s3 =	sld [smem:$0x3FDB];
	s0 =	simm.s32 @p2 $0x1  }
0x17: {  	s4 =	simm.s32 $0x1BF5;
	[smem:$0x3FB9] =	sst s0  }
0x18: {  	s0 =	sld [smem:$0x3F9C];
	_ =	swait.ge [sflag:s4], $0x0  }
0x19: {  	s7 =	sld [smem:$0x3F9D]  }
0x1a: {  	s8 =	sadd.s32 $0xFFFFE003, lr  }
0x1b: {  	s9 =	sadd.s32 $0xFFFFFEF7, lr;
	s5 =	simm.s32 $0xFFFFFFFF;
	p2 =	slt.u32 s8, $0xFFFFF086  }
0x1c: {  	p1 =	slt.u32 s9, $0xF7A;
	s5 =	simm.s32 @!p2 $0x0  }
0x1d: {  	s5 =	simm.s32 @p1 $0x1;
	p0 =	seq.s32 s7, s2  }
0x1e: {  	s7 =	smul.u32 @!p0 $0xF7A, s2;
	p2 =	seq.s32 @!p0 s5, $0x0  }
0x1f: {  	s9 =	smul.u32 $0xF7A, s1;
	s8 =	simm.s32 @!p0 $0x1BF5;
	p2 =	por !p2, p0  }
0x20: {  	[sflag:s8] =	ssyncset.s32 @!p0 $0xFFFFF086;
	s6 =	sadd.s32 @!p0 s3, s7;
	s7 =	simm.s32 @!p0 $0x108  }
0x21: {  	s3 =	sadd.s32 s3, s9;
	s6 =	sadd.s32 @!p0 $0x88, s6;
	s7 =	simm.s32 @p2 $0x1082  }
0x22: {  	[simem:s7], [sflag:s8] =	dma.local @!p0 [hbm:s6], $0xF7A  }
0x23: {  	s9 =	sor.u32 $0xD0000000, s2;
	s6 =	simm.s32 $0x108;
	_ =	swait.ge @!p0 [sflag:s8], $0x0  }
0x24: {  	s3 =	sadd.s32 $0x88, s3;
	s6 =	simm.s32 @!p1 $0x1082;
	[sflag:s4] =	ssyncset.s32 $0xFFFFF086  }
0x25: {  	[simem:s6], [sflag:s4] =	dma.local [hbm:s3], $0xF7A  }
0x26: {  	[smem:$0x3F9D] =	sst s1;
	(tag) =	ssettag s2;
	_ =	strace s9  }
0x27: {  	s1 =	sld [smem:$0x3FAD]  }
0x28: {  	s2 =	sld [smem:$0x3FAE]  }
0x29: {  	s4 =	sld [smem:$0x3FB0]  }
0x2a: {  	p0 =	seq.s32 s5, $0x0;
	s5 =	sld [smem:$0x3FB1]  }
0x2b: {  	s6 =	sld [smem:$0x3FB2]  }
0x2c: {  	s7 =	sld [smem:$0x3FB3]  }
0x2d: {  	s3 =	simm.s32 $0x108;
	s8 =	sld [smem:$0x3FB4]  }
0x2e: {  	s3 =	simm.s32 @!p0 $0x1082;
	s9 =	sld [smem:$0x3FB5]  }
0x2f: {  	lr =	sadd.s32 s0, s3;
	s0 =	sld [smem:$0x3FAC]  }
0x30: {  	s3 =	sld [smem:$0x3FAF]  }
0x31: {  	[smem:$0x3FB8] =	sst s10  }
0x32: {  	s10 =	sld [smem:$0x3FB6];
	_ =	sdelay $0x3  }
0x33: {  	p0 =	seq.s32 s10, $0x1;
	s10 =	sld [smem:$0x3FB8];
	_ =	sdelay $0x3  }
0x34: {  	[smem:$0x3FB8] =	sst s10  }
0x35: {  	s10 =	sld [smem:$0x3FB7];
	_ =	sdelay $0x3  }
0x36: {  	p1 =	seq.s32 s10, $0x1;
	s10 =	sld [smem:$0x3FB8];
	_ =	sdelay $0x3  }
0x37: {  	[smem:$0x3FB8] =	sst s10  }
0x38: {  	s10 =	sld [smem:$0x3FB9]  }
0x39: {  	_ = 	snop;
	(pc) =	sbr.ind lr, $3  }
0x3a: {  	_ = 	snop  }
0x3b: {  	_ = 	snop  }
0x3c: {  	p2 =	seq.s32 s10, $0x1;
	s10 =	sld [smem:$0x3FB8]  }
0x3d: {  	_ =	shalt  }
0x3e: {  	_ =	shalt  }
0x3f: {  	_ =	shalt  }
0x40: {  	_ =	shalt  }
0x41: {  	_ =	shalt  }
0x42: {  	_ =	shalt  }
0x43: {  	_ =	shalt  }
0x44: {  	_ =	shalt  }
0x45: {  	_ =	shalt  }
0x46: {  	_ =	shalt  }
0x47: {  	_ =	shalt  }
0x48: {  	_ =	shalt  }
0x49: {  	_ =	shalt  }
0x4a: {  	_ =	shalt  }
0x4b: {  	_ =	shalt  }
0x4c: {  	_ =	shalt  }
0x4d: {  	_ =	shalt  }
0x4e: {  	_ =	shalt  }
0x4f: {  	_ =	shalt  }
0x50: {  	_ =	shalt  }
0x51: {  	_ =	shalt  }
0x52: {  	_ =	shalt  }
0x53: {  	_ =	shalt  }
0x54: {  	_ =	shalt  }
0x55: {  	_ =	shalt  }
0x56: {  	_ =	shalt  }
0x57: {  	_ =	shalt  }
0x58: {  	_ =	shalt  }
0x59: {  	_ =	shalt  }
0x5a: {  	_ =	shalt  }
0x5b: {  	_ =	shalt  }
0x5c: {  	_ =	shalt  }
0x5d: {  	_ =	shalt  }
0x5e: {  	_ =	shalt  }
0x5f: {  	_ =	shalt  }
0x60: {  	_ =	shalt  }
0x61: {  	_ =	shalt  }
0x62: {  	_ =	shalt  }
0x63: {  	_ =	shalt  }
0x64: {  	_ =	shalt  }
0x65: {  	_ =	shalt  }
0x66: {  	_ =	shalt  }
0x67: {  	_ =	shalt  }
0x68: {  	_ =	shalt  }
0x69: {  	_ =	shalt  }
0x6a: {  	_ =	shalt  }
0x6b: {  	_ =	shalt  }
0x6c: {  	_ =	shalt  }
0x6d: {  	_ =	shalt  }
0x6e: {  	_ =	shalt  }
0x6f: {  	_ =	shalt  }
0x70: {  	_ =	shalt  }
0x71: {  	_ =	shalt  }
0x72: {  	_ =	shalt  }
0x73: {  	_ =	shalt  }
0x74: {  	_ =	shalt  }
0x75: {  	_ =	shalt  }
0x76: {  	_ =	shalt  }
0x77: {  	_ =	shalt  }
0x78: {  	_ =	shalt  }
0x79: {  	_ =	shalt  }
0x7a: {  	_ =	shalt  }
0x7b: {  	_ =	shalt  }
0x7c: {  	_ =	shalt  }
0x7d: {  	_ =	shalt  }
0x7e: {  	_ =	shalt  }
0x7f: {  	_ =	shalt  }
0x80: {  	_ =	shalt  }
0x81: {  	_ =	shalt  }
0x82: {  	_ =	shalt  }
0x83: {  	_ =	shalt  }
0x84: {  	_ =	shalt  }
0x85: {  	_ =	shalt  }
0x86: {  	_ =	shalt  }
0x87: {  	_ =	shalt  }
.Lfunc_end0:
.L_simem_size_0:
called_computation.2_lowered:
.L_overlay_start_0:
0x88: {  	s2 =	sld [smem:$0x3FD9]  }
0x89: {  	s3 =	sld [smem:$0x3FFE];
	_ =	sdelay $0x1  }
0x8a: {  	s1 =	srdreg.scid  }
0x8b: {  	s0 =	sand.u32 $0x1, s1  }
0x8c: {  	s14 =	sshll.u32 s0, $0xA;
	s2 =	sadd.s32 s3, s2  }
0x8d: {  	s2 =	sadd.s32 s2, s14  }
0x8e: {  	[smem:$0x3FC4] =	sst s2  }
0x8f: {  	_ = 	snop  }
0x90: {  	s2 =	sld [smem:$0x3FD0];
	_ =	sdelay $0x2  }
0x91: {  	s15 =	simm.s32 $0xB;
	s4 =	simm.s32 $0x10  }
0x92: {  	[smem:s4], [sflag:s15] =	dma.local [hbm:s2], $0x1  }
0x93: {  	_ =	swait.eq [sflag:s15], $0x1  }
0x94: {  	[sflag:s15] =	ssyncset.done $0x0  }
0x95: {  	s16 =	sld [smem:$0x10];
	[sflag:s15] =	ssyncadd.s32 $0xFFFFFFFF  }
0x96: {  	s17 =	sld [smem:$0x11];
	(tm) =	ssettm $0x1  }
0x97: {  	s18 =	sld [smem:$0x3FFB];
	_ =	sdelay $0x3  }
0x98: {  	_ =	strace s18  }
0x99: {  	s4 =	sld [smem:$0x3FFC];
	_ =	sdelay $0x3  }
0x9a: {  	_ =	strace s4  }
0x9b: {  	s4 =	sld [smem:$0x3FFD];
	_ =	sdelay $0x3  }
0x9c: {  	_ =	strace s4  }
0x9d: {  	_ =	strace $0x8FFFFFFF  }
0x9e: {  	s19 =	sld [smem:$0x3FDB];
	_ =	sdelay $0x1  }
0x9f: {  	s5 =	simm.s32 $_scs_section_size  }
0xa0: {  	s6 =	simm.s32 $_size__tile_overlayer_lowered;
	s7 =	simm.s32 $_tile_overlayer_lowered  }
0xa1: {  	s22 =	simm.s32 $0x1BFF;
	s21 =	sshll.u32 s7, $0x1;
	s4 =	sadd.s32 s5, s19  }
0xa2: {  	s8 =	simm.s32 $0x0;
	s20 =	sshll.u32 s6, $0x1;
	s6 =	sadd.s32 s21, s4  }
0xa3: {  	[timem:s8], [sflag:s22] =	dma.local [hbm:s6], s20  }
0xa4: {  	_ =	swait.ge [sflag:s22], s20  }
0xa5: {  	s5 =	ssub.s32 $0x0, s20;
	[sflag:s22] =	ssyncset.done $0x0  }
0xa6: {  	[sflag:s22] =	ssyncadd.s32 s5;
	_ =	sdelay $0x1  }
0xa7: {  	s23 =	simm.s32 $0x1B8B  }
0xa8: {  	_ =	swait.ge [sflag:s23], $0x1  }
0xa9: {  	[sflag:s23] =	ssyncset.done $0x0  }
0xaa: {  	s25 =	simm.s32 $0x1B8E;
	s24 =	sld [smem:$0x3FFE];
	[sflag:s23] =	ssyncadd.s32 $0xFFFFFFFF  }
0xab: {  	s26 =	simm.s32 $execute0_lowered;
	[smem:$0x3FD2] =	sst s25  }
0xac: {  	s6 =	sshll.u32 s26, $0x1;
	_ =	strace $0x80000046;
	[dreg:$0x1] =	wrdreg $0xFFFFFFFF  }
0xad: {  	s28 =	simm.s32 $_size_execute0_lowered;
	s4 =	sadd.s32 s4, s6;
	[dreg:$0x0] =	wrdreg $0x0  }
0xae: {  	s6 =	sshll.u32 s28, $0x1;
	[dreg:$0x2] =	wrdreg s4  }
0xaf: {  	[dreg:$0x3] =	wrdreg s6  }
0xb0: {  	[dreg:$0x4] =	wrdreg $0xC0  }
0xb1: {  	_ =	task [dreg:s8], $0x5FFFF  }
0xb2: {  	[dreg:$0x1] =	wrdreg $0xFFFFFFFF  }
0xb3: {  	[dreg:$0x0] =	wrdreg $0x60  }
0xb4: {  	[dreg:$0x2] =	wrdreg s24  }
0xb5: {  	[dreg:$0x3] =	wrdreg s17  }
0xb6: {  	[dreg:$0x4] =	wrdreg s16  }
0xb7: {  	[dreg:$0x5] =	wrdreg $0x9  }
0xb8: {  	_ =	task.clear_ibuf [dreg:s8], $0x6FFFF;
	_ =	strace $0x90000046  }
0xb9: {  	s29 =	simm.s32 $0x9;
	_ =	strace $0x80000048  }
0xba: {  	_ =	swait.ge [sflag:s29], $0x1  }
0xbb: {  	[sflag:s29] =	ssyncadd.s32 $0xFFFFFFFF  }
0xbc: {  	_ =	strace $0x90000048  }
0xbd: {  	_ =	sfence  }
0xbe: {  	s30 =	sld [smem:$0x0];
	_ =	sdelay $0x2  }
0xbf: {  	s31 =	sshll.u32 s1, $0xD;
	s1 =	sshrl.u32 s1, $0x2  }
0xc0: {  	s3 =	sand.u32 $0x4000, s31;
	s1 =	sadd.s32 s1, s30  }
0xc1: {  	s0 =	sor.u32 s3, s0;
	s1 =	sshll.u32 s1, $0x11  }
0xc2: {  	s0 =	sor.u32 s1, s0  }
0xc3: {  	s0 =	sadd.s32 $0x8F2B, s0  }
0xc4: {  	[sflag:s0] =	ssyncadd.remote.s32 $0x1  }
0xc5: {  	_ =	sfence.sel $0xFFFF  }
0xc6: {  	[dreg:$0x0] =	wrdreg $0xFFFFFFFF;
	(pc) =	sbr.abs _section_cstart, $3  }
0xc7: {  	[dreg:$0x1] =	wrdreg $0xFFFFFFFF  }
0xc8: {  	_ =	task.clear_ibuf [dreg:s8], $0x2FFFF;
	_ =	strace $0x9FFFFFFF  }
0xc9: {  	(tm) =	ssettm $0x7FFFFFFF  }
tec
execute0_lowered:
.L_overlay_start_1:
0x0: {  	(tag) =	ssettag $0x1  }
0x1: {  	s0 =	rddreg [dreg:$0x0]  }
0x2: {  	s3 =	rddreg [dreg:$0x1]  }
0x3: {  	s1 =	srdreg.scid;
	s2 =	stileid.u32  }
0x4: {  	s12 =	rddreg [dreg:$0x2];
	s4 =	simm.s32 $0x0;
	s23 =	simm.s32 $0x40  }
0x5: {  	s24 =	simm.s32 $0x3200;
	s25 =	simm.s32 $0x4200;
	[smem:$0x7FF] =	sst s4  }
0x6: {  	s26 =	simm.s32 $0x5200;
	_ =	strace $0x80000047;
	[dreg:$0x4] =	wrdreg s23  }
0x7: {  	s28 =	simm.s32 $0x6200;
	s29 =	simm.s32 $0x7200;
	[dreg:$0x5] =	wrdreg s24  }
0x8: {  	s30 =	simm.s32 $0x8200;
	s31 =	simm.s32 $0x9200;
	[dreg:$0x6] =	wrdreg s25  }
0x9: {  	s1 =	sand.u32 $0x1, s1;
	s5 =	sshll.u32 s2, $0x1;
	[dreg:$0x7] =	wrdreg s26  }
0xa: {  	s8 =	smul.u32 $0xC8000, s2;
	s5 =	sor.u32 s1, s5;
	[dreg:$0x8] =	wrdreg s28  }
0xb: {  	s9 =	ssub.s32 $0x2, s1;
	s1 =	smul.u32 $0x64000, s1;
	[dreg:$0x9] =	wrdreg s29  }
0xc: {  	s7 =	sadd.s32 $0x1000, s0;
	[dreg:$0xa] =	wrdreg s30;
	s5 =	smul.u32 $0x1900, s5  }
0xd: {  	[dreg:$0xb] =	wrdreg s31;
	s11 =	sshrl.u32 s9, $0x1;
	s1 =	sadd.s32 s1, s8  }
0xe: {  	s18 =	ssub.s32 s9, s11;
	s6 =	sshrl.u32 s5, $0x3;
	s1 =	sshrl.u32 s1, $0x3  }
0xf: {  	s10 =	sadd.s32 s6, s0;
	s6 =	sadd.s32 $0xF800, s0;
	s0 =	smax.u32 s18, $0x1  }
0x10: {  	s2 =	simm.s32 $0x0;
	s21 =	sadd.s32 s1, s12;
	[dreg:$0xe] =	wrdreg s0  }
0x11: {  	s23 =	simm.s32 $0xC;
	s22 =	sadd.s32 s1, s3;
	[dreg:$0xf] =	wrdreg s21  }
0x12: {  	s3 =	simm.s32 $0xA200;
	s19 =	sadd.s32 $0x3000, s10;
	[dreg:$0x10] =	wrdreg s22  }
0x13: {  	s20 =	sadd.s32 $0x9400, s10;
	s21 =	simm.s32 $0xA;
	[dreg:$0xc] =	wrdreg s19  }
0x14: {  	s22 =	simm.s32 $0xB;
	[dreg:$0xd] =	wrdreg s20;
	s20 =	simm.s32 $0x9  }
.LBB2_1:
0x15: {  	[dreg:$0x11] =	wrdreg s2  }
0x16: {  	s0 =	rddreg [dreg:$0xc];
	s1 =	simm.s32 $0xE  }
0x17: {  	[tilespmem:s4], [sflag:$0xE] =	stream.linear.gather [hbm4b:s0+s4], $0x1900, $0x38;
	[tilespmem:$0xB200] =	vst v63  }
0x18: {  	_ =	swait.ge [sflag:s1], $0x1900  }
0x19: {  	[sflag:s1] =	ssyncset.done $0x0  }
0x1a: {  	s30 =	simm.s32 $0x1900;
	s29 =	rddreg [dreg:$0xd];
	[sflag:s1] =	ssyncadd.s32 $0xFFFFE700  }
0x1b: {  	[tilespmem:s30], [sflag:$0xE] =	stream.linear.gather [hbm4b:s29+s4], $0x1900, $0x38;
	[tilespmem:$0xB200] =	vst v63  }
0x1c: {  	_ =	swait.ge [sflag:s1], $0x1900  }
0x1d: {  	p0 =	por $0x0, $0x0;
	[sflag:s1] =	ssyncset.done $0x0  }
0x1e: {  	s0 =	simm.s32 @p0 $0x5;
	[sflag:s1] =	ssyncadd.s32 $0xFFFFE700  }
0x1f: {  	_ =	swait.ge @p0 [sflag:s0], $0x1000  }
0x20: {  	s8 =	simm.s32 @p0 $0x6;
	s9 =	simm.s32 @p0 $0x3200;
	[sflag:s0] =	ssyncset.done @p0 $0x0  }
0x21: {  	s1 =	simm.s32 @p0 $0x0;
	[sflag:s0] =	ssyncadd.s32 @p0 $0xFFFFF000;
	s0 =	simm.s32 @p0 $0x40  }
0x22: {  	[tilespmem:s9], [sflag:$0x1] =	stream.indirect.gather @p0 [hbm4b:s6+s0], $0x40, s1, s0, $0xb8;
	[tilespmem:$0xB200] =	vst v63  }
0x23: {  	_ =	swait.ge @p0 [sflag:s8], $0x1000  }
0x24: {  	s1 =	simm.s32 @p0 $0x40;
	[sflag:s8] =	ssyncset.done @p0 $0x0  }
0x25: {  	s9 =	simm.s32 @p0 $0x7;
	[sflag:s8] =	ssyncadd.s32 @p0 $0xFFFFF000;
	s8 =	simm.s32 @p0 $0x4200  }
0x26: {  	[tilespmem:s8], [sflag:$0x2] =	stream.indirect.gather @p0 [hbm4b:s6+s0], $0x40, s1, s0, $0xb8;
	[tilespmem:$0xB200] =	vst v63  }
0x27: {  	_ =	swait.ge @p0 [sflag:s9], $0x1000  }
0x28: {  	s1 =	simm.s32 @p0 $0x80;
	[sflag:s9] =	ssyncset.done @p0 $0x0  }
0x29: {  	s8 =	simm.s32 @p0 $0x5200;
	[sflag:s9] =	ssyncadd.s32 @p0 $0xFFFFF000;
	s9 =	simm.s32 @p0 $0x8  }
0x2a: {  	[tilespmem:s8], [sflag:$0x3] =	stream.indirect.gather @p0 [hbm4b:s6+s0], $0x40, s1, s0, $0xb8;
	[tilespmem:$0xB200] =	vst v63  }
0x2b: {  	_ =	swait.ge @p0 [sflag:s9], $0x1000  }
0x2c: {  	s1 =	simm.s32 @p0 $0xC0;
	[sflag:s9] =	ssyncset.done @p0 $0x0  }
0x2d: {  	s8 =	simm.s32 @p0 $0x6200;
	[sflag:s9] =	ssyncadd.s32 @p0 $0xFFFFF000;
	s9 =	simm.s32 @p0 $0xD  }
0x2e: {  	[tilespmem:s8], [sflag:$0x4] =	stream.indirect.gather @p0 [hbm4b:s6+s0], $0x40, s1, s0, $0xb8;
	[tilespmem:$0xB200] =	vst v63  }
0x2f: {  	_ =	swait.ge @p0 [sflag:s9], $0x1000  }
0x30: {  	[sflag:s9] =	ssyncset.done @p0 $0x0  }
0x31: {  	s1 =	simm.s32 @p0 $0x1900;
	s8 =	simm.s32 @p0 $0x7200;
	[sflag:s9] =	ssyncadd.s32 @p0 $0xFFFFF000  }
0x32: {  	[tilespmem:s8], [sflag:$0x9] =	stream.indirect.gather @p0 [hbm4b:s7+s0], $0x40, s1, s0, $0xb8;
	[tilespmem:$0xB200] =	vst v63  }
0x33: {  	_ =	swait.ge @p0 [sflag:s9], $0x1000  }
0x34: {  	[sflag:s9] =	ssyncset.done @p0 $0x0  }
0x35: {  	s1 =	simm.s32 @p0 $0x1940;
	s8 =	simm.s32 @p0 $0x8200;
	[sflag:s9] =	ssyncadd.s32 @p0 $0xFFFFF000  }
0x36: {  	[tilespmem:s8], [sflag:$0xA] =	stream.indirect.gather @p0 [hbm4b:s7+s0], $0x40, s1, s0, $0xb8;
	[tilespmem:$0xB200] =	vst v63  }
0x37: {  	_ =	swait.ge @p0 [sflag:s9], $0x1000  }
0x38: {  	[sflag:s9] =	ssyncset.done @p0 $0x0  }
0x39: {  	s1 =	simm.s32 @p0 $0x1980;
	s8 =	simm.s32 @p0 $0x9200;
	[sflag:s9] =	ssyncadd.s32 @p0 $0xFFFFF000  }
0x3a: {  	[tilespmem:s8], [sflag:$0xB] =	stream.indirect.gather @p0 [hbm4b:s7+s0], $0x40, s1, s0, $0xb8;
	[tilespmem:$0xB200] =	vst v63  }
0x3b: {  	_ =	swait.ge @p0 [sflag:s9], $0x1000  }
0x3c: {  	s0 =	simm.s32 @!p0 $0x3200;
	[sflag:s9] =	ssyncset.done @p0 $0x0  }
0x3d: {  	s1 =	simm.s32 @!p0 $0x40;
	s8 =	simm.s32 @!p0 $0x0;
	[sflag:s9] =	ssyncadd.s32 @p0 $0xFFFFF000  }
0x3e: {  	[tilespmem:s0], [sflag:$0x1] =	stream.indirect.gather @!p0 [hbm4b:s6+s1], $0x40, s8, s1, $0xb8;
	[tilespmem:$0xB200] =	vst v63  }
0x3f: {  	s0 =	simm.s32 @!p0 $0x4200  }
0x40: {  	[tilespmem:s0], [sflag:$0x2] =	stream.indirect.gather @!p0 [hbm4b:s6+s1], $0x40, s1, s1, $0xb8;
	[tilespmem:$0xB200] =	vst v63  }
0x41: {  	s8 =	simm.s32 @!p0 $0x5200;
	s0 =	simm.s32 @!p0 $0x80  }
0x42: {  	[tilespmem:s8], [sflag:$0x3] =	stream.indirect.gather @!p0 [hbm4b:s6+s1], $0x40, s0, s1, $0xb8;
	[tilespmem:$0xB200] =	vst v63  }
0x43: {  	s0 =	simm.s32 @!p0 $0xC0;
	s8 =	simm.s32 @!p0 $0x6200  }
0x44: {  	[tilespmem:s8], [sflag:$0x4] =	stream.indirect.gather @!p0 [hbm4b:s6+s1], $0x40, s0, s1, $0xb8;
	[tilespmem:$0xB200] =	vst v63  }
0x45: {  	s9 =	simm.s32 @!p0 $0x7200;
	s8 =	simm.s32 @!p0 $0x1900  }
0x46: {  	[tilespmem:s9], [sflag:$0x9] =	stream.indirect.gather @!p0 [hbm4b:s7+s1], $0x40, s8, s1, $0xb8;
	[tilespmem:$0xB200] =	vst v63  }
0x47: {  	s0 =	simm.s32 $0xC0;
	s8 =	simm.s32 @!p0 $0x1940;
	s9 =	simm.s32 @!p0 $0x8200  }
0x48: {  	[tilespmem:s9], [sflag:$0xA] =	stream.indirect.gather @!p0 [hbm4b:s7+s1], $0x40, s8, s1, $0xb8;
	[tilespmem:$0xB200] =	vst v63  }
0x49: {  	s0 =	simm.s32 @!p0 $0xC0;
	s8 =	simm.s32 @!p0 $0x1980;
	s9 =	simm.s32 @!p0 $0x9200  }
0x4a: {  	[tilespmem:s9], [sflag:$0xB] =	stream.indirect.gather @!p0 [hbm4b:s7+s1], $0x40, s8, s1, $0xb8;
	[tilespmem:$0xB200] =	vst v63  }
0x4b: {  	s10 =	rddreg [dreg:$0x4];
	s2 =	sadd.s32 $0x1900, s0  }
0x4c: {  	[tilespmem:s3], [sflag:$0xC] =	stream.indirect.gather [hbm4b:s7+s10], $0x40, s2, s10, $0xb8;
	[tilespmem:$0xB200] =	vst v63  }
0x4d: {  	s3 =	simm.s32 $0x1  }
0x4e: {  	s11 =	simm.s32 $0x2;
	s8 =	simm.s32 @p0 $0x40;
	_ =	swait.ge [sflag:s3], $0x1000  }
0x4f: {  	s8 =	simm.s32 @!p0 $0x40;
	s9 =	rddreg [dreg:$0x5];
	[sflag:s3] =	ssyncset.done $0x0  }
0x50: {  	s10 =	sadd.s32 s5, s8;
	s12 =	rddreg [dreg:$0x10];
	[sflag:s3] =	ssyncadd.s32 $0xFFFFF000  }
0x51: {  	[hbm4b:s12+s4] =	stream.linear.scatter [tilespmem:s9], [sflag:$0x5], $0x1000, $0x38;
	[tilespmem:$0xB200] =	vst v63  }
0x52: {  	s17 =	simm.s32 $0x3;
	s1 =	sshll.u32 s10, $0x3;
	_ =	swait.ge [sflag:s11], $0x1000  }
0x53: {  	s9 =	simm.s32 @p0 $0x80;
	s13 =	rddreg [dreg:$0x6];
	[sflag:s11] =	ssyncset.done $0x0  }
0x54: {  	s1 =	sand.u32 $0x1FFFFA00, s1;
	s9 =	simm.s32 @!p0 $0x80;
	s14 =	rddreg [dreg:$0x1]  }
0x55: {  	s16 =	sadd.s32 s5, s9;
	[sflag:s11] =	ssyncadd.s32 $0xFFFFF000;
	s15 =	sadd.s32 s14, s1  }
0x56: {  	[hbm4b:s15+s4] =	stream.linear.scatter [tilespmem:s13], [sflag:$0x6], $0x1000, $0x38;
	[tilespmem:$0xB200] =	vst v63  }
0x57: {  	s24 =	simm.s32 $0x4;
	s8 =	sshll.u32 s16, $0x3;
	_ =	swait.ge [sflag:s17], $0x1000  }
0x58: {  	s0 =	sadd.s32 s5, s0;
	s8 =	sand.u32 $0x1FFFFC00, s8;
	[sflag:s17] =	ssyncset.done $0x0  }
0x59: {  	s19 =	sadd.s32 s14, s8;
	s18 =	rddreg [dreg:$0x7];
	[sflag:s17] =	ssyncadd.s32 $0xFFFFF000  }
0x5a: {  	[hbm4b:s19+s4] =	stream.linear.scatter [tilespmem:s18], [sflag:$0x7], $0x1000, $0x38;
	[tilespmem:$0xB200] =	vst v63  }
0x5b: {  	s0 =	sshll.u32 s0, $0x3;
	_ =	swait.ge [sflag:s24], $0x1000  }
0x5c: {  	s28 =	sand.u32 $0x1FFFFE00, s0;
	[sflag:s24] =	ssyncset.done $0x0  }
0x5d: {  	s0 =	sadd.s32 s14, s28;
	s25 =	rddreg [dreg:$0x8];
	[sflag:s24] =	ssyncadd.s32 $0xFFFFF000  }
0x5e: {  	[hbm4b:s0+s4] =	stream.linear.scatter [tilespmem:s25], [sflag:$0x8], $0x1000, $0x38;
	[tilespmem:$0xB200] =	vst v63  }
0x5f: {  	p0 =	por $0x1, $0x1;
	_ =	swait.ge [sflag:s20], $0x1000  }
0x60: {  	s9 =	simm.s32 $0x400;
	s26 =	rddreg [dreg:$0x9];
	[sflag:s20] =	ssyncset.done $0x0  }
0x61: {  	s14 =	simm.s32 $0x800;
	s29 =	rddreg [dreg:$0xf];
	[sflag:s20] =	ssyncadd.s32 $0xFFFFF000  }
0x62: {  	[hbm4b:s29+s4] =	stream.linear.scatter [tilespmem:s26], [sflag:$0xD], $0x1000, $0x38;
	[tilespmem:$0xB200] =	vst v63  }
0x63: {  	s24 =	simm.s32 $0x1C0;
	s0 =	sadd.s32 $0x800, s12;
	s30 =	rddreg [dreg:$0x2]  }
0x64: {  	s31 =	sadd.s32 $0x800, s29;
	s11 =	sadd.s32 s30, s1;
	s10 =	sadd.s32 s30, s8  }
.LBB2_2:
0x65: {  	_ =	swait.ge [sflag:s21], $0x1000  }
0x66: {  	[sflag:s21] =	ssyncset.done $0x0  }
0x67: {  	s13 =	rddreg [dreg:$0xa];
	[sflag:s21] =	ssyncadd.s32 $0xFFFFF000  }
0x68: {  	[hbm4b:s11+s4] =	stream.linear.scatter [tilespmem:s13], [sflag:$0xD], $0x1000, $0x38;
	[tilespmem:$0xB200] =	vst v63  }
0x69: {  	_ =	swait.ge [sflag:s22], $0x1000  }
0x6a: {  	s30 =	simm.s32 @p0 $0x5;
	[sflag:s22] =	ssyncset.done $0x0  }
0x6b: {  	s12 =	sadd.s32 @p0 $0xFFFFFF80, s24;
	s18 =	rddreg [dreg:$0xb];
	[sflag:s22] =	ssyncadd.s32 $0xFFFFF000  }
0x6c: {  	[hbm4b:s10+s4] =	stream.linear.scatter [tilespmem:s18], [sflag:$0xD], $0x1000, $0x38;
	[tilespmem:$0xB200] =	vst v63  }
0x6d: {  	s15 =	smov.u32 s14;
	s2 =	sadd.s32 @p0 $0xFFFFFFC0, s24;
	_ =	swait.ge [sflag:s23], $0x1000  }
0x6e: {  	s3 =	sshra.s32 @p0 s9, $0x2;
	s12 =	simm.s32 @!p0 $0x40;
	[sflag:s23] =	ssyncset.done $0x0  }
0x6f: {  	s2 =	simm.s32 @!p0 $0x80;
	s16 =	sadd.s32 @p0 $0x40, s3;
	[sflag:s23] =	ssyncadd.s32 $0xFFFFF000  }
0x70: {  	s17 =	sadd.s32 @p0 $0x80, s3;
	s2 =	sadd.s32 s5, s2;
	s19 =	rddreg [dreg:$0x2]  }
0x71: {  	s2 =	sshll.u32 s2, $0x3;
	s9 =	sadd.s32 s19, s28;
	s28 =	simm.s32 $0xA200  }
0x72: {  	[hbm4b:s9+s4] =	stream.linear.scatter [tilespmem:s28], [sflag:$0xD], $0x1000, $0x38;
	[tilespmem:$0xB200] =	vst v63  }
0x73: {  	s29 =	sadd.s32 @p0 $0xC0, s3;
	s10 =	sand.u32 $0x1FFFFC00, s2;
	_ =	swait.ge @p0 [sflag:s30], $0x1000  }
0x74: {  	s2 =	simm.s32 @p0 $0x6;
	s18 =	simm.s32 @p0 $0x3200;
	[sflag:s30] =	ssyncset.done @p0 $0x0  }
0x75: {  	s9 =	smov.u32 s15;
	s15 =	simm.s32 @p0 $0x40;
	[sflag:s30] =	ssyncadd.s32 @p0 $0xFFFFF000  }
0x76: {  	[tilespmem:s18], [sflag:$0x1] =	stream.indirect.gather @p0 [hbm4b:s6+s15], $0x40, s3, s15, $0xb8;
	[tilespmem:$0xB200] =	vst v63  }
0x77: {  	s25 =	sadd.s32 s5, s12;
	s12 =	sadd.s32 @p0 $0x1940, s3;
	_ =	swait.ge @p0 [sflag:s2], $0x1000  }
0x78: {  	s13 =	sadd.s32 @p0 $0x1900, s3;
	s11 =	sadd.s32 @p0 $0x1980, s3;
	[sflag:s2] =	ssyncset.done @p0 $0x0  }
0x79: {  	s3 =	simm.s32 @p0 $0x7;
	[sflag:s2] =	ssyncadd.s32 @p0 $0xFFFFF000;
	s2 =	simm.s32 @p0 $0x4200  }
0x7a: {  	[tilespmem:s2], [sflag:$0x2] =	stream.indirect.gather @p0 [hbm4b:s6+s15], $0x40, s16, s15, $0xb8;
	[tilespmem:$0xB200] =	vst v63  }
0x7b: {  	_ =	swait.ge @p0 [sflag:s3], $0x1000  }
0x7c: {  	[sflag:s3] =	ssyncset.done @p0 $0x0  }
0x7d: {  	s2 =	simm.s32 @p0 $0x5200;
	[sflag:s3] =	ssyncadd.s32 @p0 $0xFFFFF000;
	s3 =	simm.s32 @p0 $0x8  }
0x7e: {  	[tilespmem:s2], [sflag:$0x3] =	stream.indirect.gather @p0 [hbm4b:s6+s15], $0x40, s17, s15, $0xb8;
	[tilespmem:$0xB200] =	vst v63  }
0x7f: {  	_ =	swait.ge @p0 [sflag:s3], $0x1000  }
0x80: {  	[sflag:s3] =	ssyncset.done @p0 $0x0  }
0x81: {  	s2 =	simm.s32 @p0 $0x6200;
	[sflag:s3] =	ssyncadd.s32 @p0 $0xFFFFF000;
	s3 =	simm.s32 @p0 $0xD  }
0x82: {  	[tilespmem:s2], [sflag:$0x4] =	stream.indirect.gather @p0 [hbm4b:s6+s15], $0x40, s29, s15, $0xb8;
	[tilespmem:$0xB200] =	vst v63  }
0x83: {  	_ =	swait.ge @p0 [sflag:s3], $0x1000  }
0x84: {  	[sflag:s3] =	ssyncset.done @p0 $0x0  }
0x85: {  	s2 =	simm.s32 @p0 $0x7200;
	[sflag:s3] =	ssyncadd.s32 @p0 $0xFFFFF000  }
0x86: {  	[tilespmem:s2], [sflag:$0x9] =	stream.indirect.gather @p0 [hbm4b:s7+s15], $0x40, s13, s15, $0xb8;
	[tilespmem:$0xB200] =	vst v63  }
0x87: {  	_ =	swait.ge @p0 [sflag:s3], $0x1000  }
0x88: {  	[sflag:s3] =	ssyncset.done @p0 $0x0  }
0x89: {  	s2 =	simm.s32 @p0 $0x8200;
	[sflag:s3] =	ssyncadd.s32 @p0 $0xFFFFF000  }
0x8a: {  	[tilespmem:s2], [sflag:$0xA] =	stream.indirect.gather @p0 [hbm4b:s7+s15], $0x40, s12, s15, $0xb8;
	[tilespmem:$0xB200] =	vst v63  }
0x8b: {  	_ =	swait.ge @p0 [sflag:s3], $0x1000  }
0x8c: {  	[sflag:s3] =	ssyncset.done @p0 $0x0  }
0x8d: {  	s2 =	simm.s32 @p0 $0x9200;
	[sflag:s3] =	ssyncadd.s32 @p0 $0xFFFFF000  }
0x8e: {  	[tilespmem:s2], [sflag:$0xB] =	stream.indirect.gather @p0 [hbm4b:s7+s15], $0x40, s11, s15, $0xb8;
	[tilespmem:$0xB200] =	vst v63  }
0x8f: {  	_ =	swait.ge @p0 [sflag:s3], $0x1000  }
0x90: {  	s2 =	simm.s32 @!p0 $0x3200;
	[sflag:s3] =	ssyncset.done @p0 $0x0  }
0x91: {  	s11 =	simm.s32 @!p0 $0x0;
	[sflag:s3] =	ssyncadd.s32 @p0 $0xFFFFF000;
	s3 =	simm.s32 @!p0 $0x40  }
0x92: {  	[tilespmem:s2], [sflag:$0x1] =	stream.indirect.gather @!p0 [hbm4b:s6+s3], $0x40, s11, s3, $0xb8;
	[tilespmem:$0xB200] =	vst v63  }
0x93: {  	s2 =	simm.s32 @!p0 $0x4200  }
0x94: {  	[tilespmem:s2], [sflag:$0x2] =	stream.indirect.gather @!p0 [hbm4b:s6+s3], $0x40, s3, s3, $0xb8;
	[tilespmem:$0xB200] =	vst v63  }
0x95: {  	s11 =	simm.s32 @!p0 $0x5200;
	s2 =	simm.s32 @!p0 $0x80  }
0x96: {  	[tilespmem:s11], [sflag:$0x3] =	stream.indirect.gather @!p0 [hbm4b:s6+s3], $0x40, s2, s3, $0xb8;
	[tilespmem:$0xB200] =	vst v63  }
0x97: {  	s2 =	simm.s32 @!p0 $0xC0;
	s11 =	simm.s32 @!p0 $0x6200  }
0x98: {  	[tilespmem:s11], [sflag:$0x4] =	stream.indirect.gather @!p0 [hbm4b:s6+s3], $0x40, s2, s3, $0xb8;
	[tilespmem:$0xB200] =	vst v63  }
0x99: {  	s1 =	smov.u32 s24;
	s2 =	simm.s32 @!p0 $0x1900;
	s11 =	simm.s32 @!p0 $0x7200  }
0x9a: {  	[tilespmem:s11], [sflag:$0x9] =	stream.indirect.gather @!p0 [hbm4b:s7+s3], $0x40, s2, s3, $0xb8;
	[tilespmem:$0xB200] =	vst v63  }
0x9b: {  	s1 =	simm.s32 @!p0 $0xC0;
	s2 =	simm.s32 @!p0 $0x1940;
	s11 =	simm.s32 @!p0 $0x8200  }
0x9c: {  	[tilespmem:s11], [sflag:$0xA] =	stream.indirect.gather @!p0 [hbm4b:s7+s3], $0x40, s2, s3, $0xb8;
	[tilespmem:$0xB200] =	vst v63  }
0x9d: {  	s26 =	sadd.s32 s5, s1;
	s2 =	simm.s32 @!p0 $0x1980;
	s11 =	simm.s32 @!p0 $0x9200  }
0x9e: {  	[tilespmem:s11], [sflag:$0xB] =	stream.indirect.gather @!p0 [hbm4b:s7+s3], $0x40, s2, s3, $0xb8;
	[tilespmem:$0xB200] =	vst v63  }
0x9f: {  	s1 =	sadd.s32 $0x1900, s1;
	s18 =	simm.s32 $0x1;
	s16 =	rddreg [dreg:$0x4]  }
0xa0: {  	[tilespmem:s28], [sflag:$0xC] =	stream.indirect.gather [hbm4b:s7+s16], $0x40, s1, s16, $0xb8;
	[tilespmem:$0xB200] =	vst v63  }
0xa1: {  	_ =	swait.ge [sflag:s18], $0x1000  }
0xa2: {  	s17 =	sshll.u32 s25, $0x3;
	s29 =	rddreg [dreg:$0x1];
	[sflag:s18] =	ssyncset.done $0x0  }
0xa3: {  	s12 =	simm.s32 $0x2;
	s25 =	rddreg [dreg:$0x5];
	[sflag:s18] =	ssyncadd.s32 $0xFFFFF000  }
0xa4: {  	[hbm4b:s0+s4] =	stream.linear.scatter [tilespmem:s25], [sflag:$0x5], $0x1000, $0x38;
	[tilespmem:$0xB200] =	vst v63  }
0xa5: {  	_ =	swait.ge [sflag:s12], $0x1000  }
0xa6: {  	s1 =	sand.u32 $0x1FFFFA00, s17;
	s17 =	simm.s32 $0x3;
	[sflag:s12] =	ssyncset.done $0x0  }
0xa7: {  	s30 =	sadd.s32 s29, s1;
	s15 =	rddreg [dreg:$0x6];
	[sflag:s12] =	ssyncadd.s32 $0xFFFFF000  }
0xa8: {  	[hbm4b:s30+s4] =	stream.linear.scatter [tilespmem:s15], [sflag:$0x6], $0x1000, $0x38;
	[tilespmem:$0xB200] =	vst v63  }
0xa9: {  	s26 =	sshll.u32 s26, $0x3;
	_ =	swait.ge [sflag:s17], $0x1000  }
0xaa: {  	s28 =	sand.u32 $0x1FFFFE00, s26;
	s26 =	simm.s32 $0x4;
	[sflag:s17] =	ssyncset.done $0x0  }
0xab: {  	s25 =	sadd.s32 s29, s10;
	s18 =	rddreg [dreg:$0x7];
	[sflag:s17] =	ssyncadd.s32 $0xFFFFF000  }
0xac: {  	[hbm4b:s25+s4] =	stream.linear.scatter [tilespmem:s18], [sflag:$0x7], $0x1000, $0x38;
	[tilespmem:$0xB200] =	vst v63  }
0xad: {  	s14 =	sadd.s32 $0x400, s14;
	_ =	swait.ge [sflag:s26], $0x1000  }
0xae: {  	p1 =	sne.s32 s14, $0x6400;
	[sflag:s26] =	ssyncset.done $0x0  }
0xaf: {  	s16 =	sadd.s32 s29, s28;
	s29 =	rddreg [dreg:$0x8];
	[sflag:s26] =	ssyncadd.s32 $0xFFFFF000  }
0xb0: {  	[hbm4b:s16+s4] =	stream.linear.scatter [tilespmem:s29], [sflag:$0x8], $0x1000, $0x38;
	[tilespmem:$0xB200] =	vst v63  }
.Ltmp0:
0xb1: {  	s8 =	smov.u32 s31;
	s24 =	sadd.s32 $0x100, s24;
	(pc) =	sbr.rel @p1 .LBB2_2-.Ltmp0, $4  }
0xb2: {  	s31 =	sadd.s32 $0x800, s31;
	p0 =	sne.s32 s9, $0x0;
	_ =	swait.ge [sflag:s20], $0x1000  }
0xb3: {  	s11 =	sadd.s32 s19, s1;
	s0 =	sadd.s32 $0x800, s0;
	[sflag:s20] =	ssyncset.done $0x0  }
0xb4: {  	s10 =	sadd.s32 s19, s10;
	s30 =	rddreg [dreg:$0x9];
	[sflag:s20] =	ssyncadd.s32 $0xFFFFF000  }
0xb5: {  	[hbm4b:s8+s4] =	stream.linear.scatter [tilespmem:s30], [sflag:$0xD], $0x1000, $0x38;
	[tilespmem:$0xB200] =	vst v63  }
0xb6: {  	_ =	swait.ge [sflag:s21], $0x1000  }
0xb7: {  	[sflag:s21] =	ssyncset.done $0x0  }
0xb8: {  	s1 =	rddreg [dreg:$0xa];
	[sflag:s21] =	ssyncadd.s32 $0xFFFFF000  }
0xb9: {  	[hbm4b:s11+s4] =	stream.linear.scatter [tilespmem:s1], [sflag:$0xD], $0x1000, $0x38;
	[tilespmem:$0xB200] =	vst v63  }
0xba: {  	_ =	swait.ge [sflag:s22], $0x1000  }
0xbb: {  	[sflag:s22] =	ssyncset.done $0x0  }
0xbc: {  	s14 =	rddreg [dreg:$0xb];
	[sflag:s22] =	ssyncadd.s32 $0xFFFFF000  }
0xbd: {  	[hbm4b:s10+s4] =	stream.linear.scatter [tilespmem:s14], [sflag:$0xD], $0x1000, $0x38;
	[tilespmem:$0xB200] =	vst v63  }
0xbe: {  	_ =	swait.ge [sflag:s23], $0x1000  }
0xbf: {  	[sflag:s23] =	ssyncset.done $0x0  }
0xc0: {  	[sflag:s23] =	ssyncadd.s32 $0xFFFFF000  }
0xc1: {  	s10 =	rddreg [dreg:$0x2]  }
0xc2: {  	s1 =	simm.s32 @p0 $0x5;
	s11 =	simm.s32 $0xA200;
	s2 =	sadd.s32 s10, s28  }
0xc3: {  	[hbm4b:s2+s4] =	stream.linear.scatter [tilespmem:s11], [sflag:$0xD], $0x1000, $0x38;
	[tilespmem:$0xB200] =	vst v63  }
0xc4: {  	_ =	swait.ge @p0 [sflag:s1], $0x1000  }
0xc5: {  	s3 =	simm.s32 @p0 $0x6;
	s8 =	simm.s32 @p0 $0x3200;
	[sflag:s1] =	ssyncset.done @p0 $0x0  }
0xc6: {  	s2 =	sshra.s32 @p0 s9, $0x2;
	[sflag:s1] =	ssyncadd.s32 @p0 $0xFFFFF000;
	s1 =	simm.s32 @p0 $0x40  }
0xc7: {  	[tilespmem:s8], [sflag:$0x1] =	stream.indirect.gather @p0 [hbm4b:s6+s1], $0x40, s2, s1, $0xb8;
	[tilespmem:$0xB200] =	vst v63  }
0xc8: {  	_ =	swait.ge @p0 [sflag:s3], $0x1000  }
0xc9: {  	s9 =	simm.s32 @p0 $0x7;
	[sflag:s3] =	ssyncset.done @p0 $0x0  }
0xca: {  	s8 =	sadd.s32 @p0 $0x40, s2;
	[sflag:s3] =	ssyncadd.s32 @p0 $0xFFFFF000;
	s3 =	simm.s32 @p0 $0x4200  }
0xcb: {  	[tilespmem:s3], [sflag:$0x2] =	stream.indirect.gather @p0 [hbm4b:s6+s1], $0x40, s8, s1, $0xb8;
	[tilespmem:$0xB200] =	vst v63  }
0xcc: {  	_ =	swait.ge @p0 [sflag:s9], $0x1000  }
0xcd: {  	s3 =	sadd.s32 @p0 $0x80, s2;
	[sflag:s9] =	ssyncset.done @p0 $0x0  }
0xce: {  	s8 =	simm.s32 @p0 $0x5200;
	[sflag:s9] =	ssyncadd.s32 @p0 $0xFFFFF000;
	s9 =	simm.s32 @p0 $0x8  }
0xcf: {  	[tilespmem:s8], [sflag:$0x3] =	stream.indirect.gather @p0 [hbm4b:s6+s1], $0x40, s3, s1, $0xb8;
	[tilespmem:$0xB200] =	vst v63  }
0xd0: {  	_ =	swait.ge @p0 [sflag:s9], $0x1000  }
0xd1: {  	s3 =	sadd.s32 @p0 $0xC0, s2;
	[sflag:s9] =	ssyncset.done @p0 $0x0  }
0xd2: {  	s8 =	simm.s32 @p0 $0x6200;
	[sflag:s9] =	ssyncadd.s32 @p0 $0xFFFFF000;
	s9 =	simm.s32 @p0 $0xD  }
0xd3: {  	[tilespmem:s8], [sflag:$0x4] =	stream.indirect.gather @p0 [hbm4b:s6+s1], $0x40, s3, s1, $0xb8;
	[tilespmem:$0xB200] =	vst v63  }
0xd4: {  	_ =	swait.ge @p0 [sflag:s9], $0x1000  }
0xd5: {  	[sflag:s9] =	ssyncset.done @p0 $0x0  }
0xd6: {  	s3 =	sadd.s32 @p0 $0x1900, s2;
	s8 =	simm.s32 @p0 $0x7200;
	[sflag:s9] =	ssyncadd.s32 @p0 $0xFFFFF000  }
0xd7: {  	[tilespmem:s8], [sflag:$0x9] =	stream.indirect.gather @p0 [hbm4b:s7+s1], $0x40, s3, s1, $0xb8;
	[tilespmem:$0xB200] =	vst v63  }
0xd8: {  	_ =	swait.ge @p0 [sflag:s9], $0x1000  }
0xd9: {  	[sflag:s9] =	ssyncset.done @p0 $0x0  }
0xda: {  	s3 =	sadd.s32 @p0 $0x1940, s2;
	s8 =	simm.s32 @p0 $0x8200;
	[sflag:s9] =	ssyncadd.s32 @p0 $0xFFFFF000  }
0xdb: {  	[tilespmem:s8], [sflag:$0xA] =	stream.indirect.gather @p0 [hbm4b:s7+s1], $0x40, s3, s1, $0xb8;
	[tilespmem:$0xB200] =	vst v63  }
0xdc: {  	_ =	swait.ge @p0 [sflag:s9], $0x1000  }
0xdd: {  	[sflag:s9] =	ssyncset.done @p0 $0x0  }
0xde: {  	s2 =	sadd.s32 @p0 $0x1980, s2;
	s3 =	simm.s32 @p0 $0x9200;
	[sflag:s9] =	ssyncadd.s32 @p0 $0xFFFFF000  }
0xdf: {  	[tilespmem:s3], [sflag:$0xB] =	stream.indirect.gather @p0 [hbm4b:s7+s1], $0x40, s2, s1, $0xb8;
	[tilespmem:$0xB200] =	vst v63  }
0xe0: {  	_ =	swait.ge @p0 [sflag:s9], $0x1000  }
0xe1: {  	s1 =	simm.s32 @!p0 $0x3200;
	[sflag:s9] =	ssyncset.done @p0 $0x0  }
0xe2: {  	s2 =	simm.s32 @!p0 $0x40;
	s3 =	simm.s32 @!p0 $0x0;
	[sflag:s9] =	ssyncadd.s32 @p0 $0xFFFFF000  }
0xe3: {  	[tilespmem:s1], [sflag:$0x1] =	stream.indirect.gather @!p0 [hbm4b:s6+s2], $0x40, s3, s2, $0xb8;
	[tilespmem:$0xB200] =	vst v63  }
0xe4: {  	s1 =	simm.s32 @!p0 $0x4200  }
0xe5: {  	[tilespmem:s1], [sflag:$0x2] =	stream.indirect.gather @!p0 [hbm4b:s6+s2], $0x40, s2, s2, $0xb8;
	[tilespmem:$0xB200] =	vst v63  }
0xe6: {  	s3 =	simm.s32 @!p0 $0x5200;
	s1 =	simm.s32 @!p0 $0x80  }
0xe7: {  	[tilespmem:s3], [sflag:$0x3] =	stream.indirect.gather @!p0 [hbm4b:s6+s2], $0x40, s1, s2, $0xb8;
	[tilespmem:$0xB200] =	vst v63  }
0xe8: {  	s1 =	simm.s32 @!p0 $0xC0;
	s3 =	simm.s32 @!p0 $0x6200  }
0xe9: {  	[tilespmem:s3], [sflag:$0x4] =	stream.indirect.gather @!p0 [hbm4b:s6+s2], $0x40, s1, s2, $0xb8;
	[tilespmem:$0xB200] =	vst v63  }
0xea: {  	s1 =	simm.s32 @!p0 $0x1900;
	s3 =	simm.s32 @!p0 $0x7200  }
0xeb: {  	[tilespmem:s3], [sflag:$0x9] =	stream.indirect.gather @!p0 [hbm4b:s7+s2], $0x40, s1, s2, $0xb8;
	[tilespmem:$0xB200] =	vst v63  }
0xec: {  	s1 =	simm.s32 @!p0 $0x1940;
	s3 =	simm.s32 @!p0 $0x8200  }
0xed: {  	[tilespmem:s3], [sflag:$0xA] =	stream.indirect.gather @!p0 [hbm4b:s7+s2], $0x40, s1, s2, $0xb8;
	[tilespmem:$0xB200] =	vst v63  }
0xee: {  	s1 =	simm.s32 @!p0 $0x1980;
	s3 =	simm.s32 @!p0 $0x9200  }
0xef: {  	[tilespmem:s3], [sflag:$0xB] =	stream.indirect.gather @!p0 [hbm4b:s7+s2], $0x40, s1, s2, $0xb8;
	[tilespmem:$0xB200] =	vst v63  }
0xf0: {  	s1 =	sadd.s32 @p0 $0xFFFFFF80, s24;
	s2 =	sadd.s32 @p0 $0xFFFFFFC0, s24;
	s24 =	simm.s32 @!p0 $0xC0  }
0xf1: {  	s17 =	simm.s32 $0x1;
	s15 =	rddreg [dreg:$0x4];
	s16 =	sadd.s32 $0x1900, s24  }
0xf2: {  	[tilespmem:s11], [sflag:$0xC] =	stream.indirect.gather [hbm4b:s7+s15], $0x40, s16, s15, $0xb8;
	[tilespmem:$0xB200] =	vst v63  }
0xf3: {  	_ =	swait.ge [sflag:s17], $0x1000  }
0xf4: {  	s25 =	simm.s32 $0x2;
	[sflag:s17] =	ssyncset.done $0x0  }
0xf5: {  	s1 =	simm.s32 @!p0 $0x40;
	s18 =	rddreg [dreg:$0x5];
	[sflag:s17] =	ssyncadd.s32 $0xFFFFF000  }
0xf6: {  	[hbm4b:s0+s4] =	stream.linear.scatter [tilespmem:s18], [sflag:$0x5], $0x1000, $0x38;
	[tilespmem:$0xB200] =	vst v63  }
0xf7: {  	s2 =	simm.s32 @!p0 $0x80;
	s19 =	sadd.s32 s5, s1;
	_ =	swait.ge [sflag:s25], $0x1000  }
0xf8: {  	s30 =	sadd.s32 s5, s2;
	s0 =	sshll.u32 s19, $0x3;
	[sflag:s25] =	ssyncset.done $0x0  }
0xf9: {  	s2 =	simm.s32 $0x3;
	s0 =	sand.u32 $0x1FFFFA00, s0;
	s28 =	rddreg [dreg:$0x1]  }
0xfa: {  	s26 =	rddreg [dreg:$0x6];
	[sflag:s25] =	ssyncadd.s32 $0xFFFFF000;
	s29 =	sadd.s32 s28, s0  }
0xfb: {  	[hbm4b:s29+s4] =	stream.linear.scatter [tilespmem:s26], [sflag:$0x6], $0x1000, $0x38;
	[tilespmem:$0xB200] =	vst v63  }
0xfc: {  	s14 =	simm.s32 $0x4;
	s1 =	sshll.u32 s30, $0x3;
	_ =	swait.ge [sflag:s2], $0x1000  }
0xfd: {  	s13 =	sadd.s32 s5, s24;
	s1 =	sand.u32 $0x1FFFFC00, s1;
	[sflag:s2] =	ssyncset.done $0x0  }
0xfe: {  	s12 =	sadd.s32 s28, s1;
	s9 =	rddreg [dreg:$0x7];
	[sflag:s2] =	ssyncadd.s32 $0xFFFFF000  }
0xff: {  	[hbm4b:s12+s4] =	stream.linear.scatter [tilespmem:s9], [sflag:$0x7], $0x1000, $0x38;
	[tilespmem:$0xB200] =	vst v63  }
0x100: {  	s2 =	sshll.u32 s13, $0x3;
	_ =	swait.ge [sflag:s14], $0x1000  }
0x101: {  	s2 =	sand.u32 $0x1FFFFE00, s2;
	[sflag:s14] =	ssyncset.done $0x0  }
0x102: {  	s8 =	sadd.s32 s28, s2;
	s15 =	rddreg [dreg:$0x8];
	[sflag:s14] =	ssyncadd.s32 $0xFFFFF000  }
0x103: {  	[hbm4b:s8+s4] =	stream.linear.scatter [tilespmem:s15], [sflag:$0x8], $0x1000, $0x38;
	[tilespmem:$0xB200] =	vst v63  }
0x104: {  	_ =	swait.ge [sflag:s20], $0x1000  }
0x105: {  	[sflag:s20] =	ssyncset.done $0x0  }
0x106: {  	s16 =	rddreg [dreg:$0x9];
	[sflag:s20] =	ssyncadd.s32 $0xFFFFF000  }
0x107: {  	[hbm4b:s31+s4] =	stream.linear.scatter [tilespmem:s16], [sflag:$0xD], $0x1000, $0x38;
	[tilespmem:$0xB200] =	vst v63  }
0x108: {  	_ =	swait.ge [sflag:s21], $0x1000  }
0x109: {  	[sflag:s21] =	ssyncset.done $0x0  }
0x10a: {  	s0 =	sadd.s32 s10, s0;
	s17 =	rddreg [dreg:$0xa];
	[sflag:s21] =	ssyncadd.s32 $0xFFFFF000  }
0x10b: {  	[hbm4b:s0+s4] =	stream.linear.scatter [tilespmem:s17], [sflag:$0xD], $0x1000, $0x38;
	[tilespmem:$0xB200] =	vst v63  }
0x10c: {  	_ =	swait.ge [sflag:s22], $0x1000  }
0x10d: {  	[sflag:s22] =	ssyncset.done $0x0  }
0x10e: {  	s1 =	sadd.s32 s10, s1;
	s18 =	rddreg [dreg:$0xb];
	[sflag:s22] =	ssyncadd.s32 $0xFFFFF000  }
0x10f: {  	[hbm4b:s1+s4] =	stream.linear.scatter [tilespmem:s18], [sflag:$0xD], $0x1000, $0x38;
	[tilespmem:$0xB200] =	vst v63  }
0x110: {  	_ =	swait.ge [sflag:s23], $0x1000  }
0x111: {  	[sflag:s23] =	ssyncset.done $0x0  }
0x112: {  	s24 =	simm.s32 $0x5;
	s19 =	sadd.s32 s10, s2;
	[sflag:s23] =	ssyncadd.s32 $0xFFFFF000  }
0x113: {  	[hbm4b:s19+s4] =	stream.linear.scatter [tilespmem:s11], [sflag:$0xD], $0x1000, $0x38;
	[tilespmem:$0xB200] =	vst v63  }
0x114: {  	_ =	swait.ge [sflag:s24], $0x1000  }
0x115: {  	[sflag:s24] =	ssyncset.done $0x0  }
0x116: {  	s25 =	simm.s32 $0x6;
	[sflag:s24] =	ssyncadd.s32 $0xFFFFF000  }
0x117: {  	_ =	swait.ge [sflag:s25], $0x1000  }
0x118: {  	[sflag:s25] =	ssyncset.done $0x0  }
0x119: {  	s26 =	simm.s32 $0x7;
	[sflag:s25] =	ssyncadd.s32 $0xFFFFF000  }
0x11a: {  	_ =	swait.ge [sflag:s26], $0x1000  }
0x11b: {  	[sflag:s26] =	ssyncset.done $0x0  }
0x11c: {  	s28 =	simm.s32 $0x8;
	[sflag:s26] =	ssyncadd.s32 $0xFFFFF000  }
0x11d: {  	_ =	swait.ge [sflag:s28], $0x1000  }
0x11e: {  	[sflag:s28] =	ssyncset.done $0x0  }
0x11f: {  	s29 =	simm.s32 $0xD;
	[sflag:s28] =	ssyncadd.s32 $0xFFFFF000  }
0x120: {  	_ =	swait.ge [sflag:s29], $0x1000  }
0x121: {  	[sflag:s29] =	ssyncset.done $0x0  }
0x122: {  	[sflag:s29] =	ssyncadd.s32 $0xFFFFF000  }
0x123: {  	_ =	swait.ge [sflag:s29], $0x1000  }
0x124: {  	[sflag:s29] =	ssyncset.done $0x0  }
0x125: {  	[sflag:s29] =	ssyncadd.s32 $0xFFFFF000  }
0x126: {  	_ =	swait.ge [sflag:s29], $0x1000  }
0x127: {  	[sflag:s29] =	ssyncset.done $0x0  }
0x128: {  	[sflag:s29] =	ssyncadd.s32 $0xFFFFF000  }
0x129: {  	_ =	swait.ge [sflag:s29], $0x1000  }
0x12a: {  	s30 =	rddreg [dreg:$0x11]  }
0x12b: {  	s31 =	rddreg [dreg:$0xe];
	s2 =	sadd.s32 $0x1, s30  }
0x12c: {  	p0 =	sne.s32 s2, s31  }
.Ltmp1:
0x12d: {  	_ = 	snop;
	(pc) =	sbr.rel @p0 .LBB2_1-.Ltmp1, $3  }
0x12e: {  	_ =	sdelay $0x1  }
0x12f: {  	[sflag:s29] =	ssyncset.done $0x0  }
0x130: {  	s3 =	simm.s32 $0xA200;
	[sflag:s29] =	ssyncadd.s32 $0xFFFFF000  }
0x131: {  	_ =	sfence.sel $0x180000  }
0x132: {  	[bflag:$0x0] =	sbarrier.arrive $0xFFFF  }
0x133: {  	_ =	strace $0x90000047  }
0x134: {  	s0 =	stileid.u32;
	[bflag:$0x2] =	sbarrier.arrive $0xFFFF  }
0x135: {  	p0 =	sne.s32 s0, $0x0;
	s0 =	rddreg [dreg:$0x3]  }
0x136: {  	s0 =	sadd.s32 @!p0 $0x100000, s0  }
0x137: {  	[sflag:s0] =	ssyncadd.tile.s32 @!p0 $0x1;
	_ =	shalt  }
.Lfunc_end2:
_tile_overlayer_lowered:
.L_overlay_start_2:
0x138: {  	(tag) =	ssettag $0x2  }
0x139: {  	s0 =	rddreg [dreg:$0x0];
	s2 =	stileid.u32  }
0x13a: {  	s1 =	rddreg [dreg:$0x1];
	p0 =	sne.s32 s2, $0x0  }
0x13b: {  	s3 =	rddreg [dreg:$0x2];
	[bflag:$0x3] =	sbarrier.arrive $0xFFFF;
	s2 =	simm.s32 @!p0 $0x1C0E  }
0x13c: {  	[timem:s3], [sflag:s2] =	dma.local @!p0 [hbm:s0], s1  }
0x13d: {  	s0 =	simm.s32 @!p0 $0xE  }
0x13e: {  	_ =	swait.ge @!p0 [sflag:s0], s1  }
0x13f: {  	s1 =	ssub.s32 @!p0 $0x0, s1;
	[sflag:s0] =	ssyncset.done @!p0 $0x0  }
0x140: {  	[sflag:s0] =	ssyncadd.s32 @!p0 s1  }
0x141: {  	[bflag:$0x3] =	sbarrier.arrive $0xFFFF  }
0x142: {  	_ =	shalt  }

// kernel: sparse-core-data-format-call.1.cloned.1.call-start
scs
called_computation.1_lowered:
.L_overlay_start_0:
0x0: {  	s2 =	sld [smem:$0x3FD9]  }
0x1: {  	s3 =	sld [smem:$0x3FFE];
	_ =	sdelay $0x1  }
0x2: {  	s1 =	srdreg.scid  }
0x3: {  	s0 =	sand.u32 $0x1, s1  }
0x4: {  	s16 =	sshll.u32 s0, $0xA;
	s2 =	sadd.s32 s3, s2  }
0x5: {  	s2 =	sadd.s32 s2, s16  }
0x6: {  	[smem:$0x3FC4] =	sst s2  }
0x7: {  	_ = 	snop  }
0x8: {  	s2 =	sld [smem:$0x3FD0];
	_ =	sdelay $0x2  }
0x9: {  	s17 =	simm.s32 $0xB;
	s4 =	simm.s32 $0x10  }
0xa: {  	[smem:s4], [sflag:s17] =	dma.local [hbm:s2], $0x1  }
0xb: {  	_ =	swait.eq [sflag:s17], $0x1  }
0xc: {  	[sflag:s17] =	ssyncset.done $0x0  }
0xd: {  	[sflag:s17] =	ssyncadd.s32 $0xFFFFFFFF  }
0xe: {  	s18 =	sld [smem:$0x10];
	(tm) =	ssettm $0x1  }
0xf: {  	s19 =	sld [smem:$0x3FFB];
	_ =	sdelay $0x3  }
0x10: {  	_ =	strace s19  }
0x11: {  	s2 =	sld [smem:$0x3FFC];
	_ =	sdelay $0x3  }
0x12: {  	_ =	strace s2  }
0x13: {  	s2 =	sld [smem:$0x3FFD];
	_ =	sdelay $0x3  }
0x14: {  	_ =	strace s2  }
0x15: {  	_ =	strace $0x8FFFFFFF  }
0x16: {  	s20 =	sld [smem:$0x3FDB];
	_ =	sdelay $0x1  }
0x17: {  	s21 =	simm.s32 $_scs_section_size  }
0x18: {  	s5 =	simm.s32 $_size__tile_overlayer_lowered;
	s6 =	simm.s32 $_tile_overlayer_lowered  }
0x19: {  	s7 =	simm.s32 $0x1BFF;
	s22 =	sshll.u32 s6, $0x1;
	s4 =	sadd.s32 s21, s20  }
0x1a: {  	s23 =	simm.s32 $0x0;
	s5 =	sshll.u32 s5, $0x1;
	s6 =	sadd.s32 s22, s4  }
0x1b: {  	[timem:s23], [sflag:s7] =	dma.local [hbm:s6], s5  }
0x1c: {  	_ =	swait.ge [sflag:s7], s5  }
0x1d: {  	s5 =	ssub.s32 $0x0, s5;
	[sflag:s7] =	ssyncset.done $0x0  }
0x1e: {  	[sflag:s7] =	ssyncadd.s32 s5;
	_ =	sdelay $0x1  }
0x1f: {  	s24 =	simm.s32 $0x1B8B  }
0x20: {  	_ =	swait.ge [sflag:s24], $0x1  }
0x21: {  	[sflag:s24] =	ssyncset.done $0x0  }
0x22: {  	[sflag:s24] =	ssyncadd.s32 $0xFFFFFFFF  }
0x23: {  	s5 =	sld [smem:$0x0]  }
0x24: {  	s6 =	sand.u32 $0xFFFFFFFE, s1  }
0x25: {  	p0 =	sne.s32 s1, s6  }
0x26: {  	s6 =	sshll.u32 @p0 s6, $0xE  }
0x27: {  	s6 =	sadd.s32 @p0 $0x11B8D, s6;
	s7 =	sshll.u32 @p0 s5, $0x11  }
0x28: {  	s6 =	sor.u32 @p0 s7, s6  }
0x29: {  	[sflag:s6] =	ssyncadd.remote.s32 @p0 $0x1;
	_ =	sdelay $0x1  }
0x2a: {  	s6 =	simm.s32 @p0 $0x1B8D  }
0x2b: {  	_ =	swait.eq @p0 [sflag:s6], $0x1  }
0x2c: {  	[sflag:s6] =	ssyncadd.s32 @p0 $0xFFFFFFFF  }
0x2d: {  	s7 =	sshll.u32 @!p0 s1, $0xE  }
0x2e: {  	s7 =	sor.u32 @!p0 $0x4000, s7;
	s6 =	simm.s32 @!p0 $0x1B8D  }
0x2f: {  	s5 =	sshll.u32 @!p0 s5, $0x11;
	s7 =	sadd.s32 @!p0 $0x11B8D, s7;
	_ =	swait.eq @!p0 [sflag:s6], $0x1  }
0x30: {  	s5 =	sor.u32 @!p0 s5, s7;
	[sflag:s6] =	ssyncadd.s32 @!p0 $0xFFFFFFFF  }
0x31: {  	s26 =	simm.s32 $0x1B8E;
	s25 =	sld [smem:$0x3FFE];
	[sflag:s5] =	ssyncadd.remote.s32 @!p0 $0x1  }
0x32: {  	s27 =	simm.s32 $execute0_lowered;
	[smem:$0x3FD2] =	sst s26  }
0x33: {  	s6 =	sshll.u32 s27, $0x1;
	_ =	strace $0x8000004C;
	[dreg:$0x1] =	wrdreg $0xFFFFFFFF  }
0x34: {  	s28 =	simm.s32 $_size_execute0_lowered;
	s4 =	sadd.s32 s4, s6;
	[dreg:$0x0] =	wrdreg $0x0  }
0x35: {  	s6 =	sshll.u32 s28, $0x1;
	[dreg:$0x2] =	wrdreg s4  }
0x36: {  	[dreg:$0x3] =	wrdreg s6  }
0x37: {  	[dreg:$0x4] =	wrdreg $0xC0  }
0x38: {  	_ =	task [dreg:s23], $0x5FFFF  }
0x39: {  	[dreg:$0x1] =	wrdreg $0xFFFFFFFF  }
0x3a: {  	[dreg:$0x0] =	wrdreg $0x60  }
0x3b: {  	[dreg:$0x2] =	wrdreg s25  }
0x3c: {  	[dreg:$0x3] =	wrdreg s18  }
0x3d: {  	[dreg:$0x4] =	wrdreg $0xA  }
0x3e: {  	_ =	task.clear_ibuf [dreg:s23], $0x5FFFF;
	_ =	strace $0x9000004C  }
0x3f: {  	s29 =	simm.s32 $0xA;
	_ =	strace $0x8000004E  }
0x40: {  	_ =	swait.ge [sflag:s29], $0x1  }
0x41: {  	[sflag:s29] =	ssyncadd.s32 $0xFFFFFFFF  }
0x42: {  	_ =	strace $0x9000004E  }
0x43: {  	_ =	sfence  }
0x44: {  	s30 =	sld [smem:$0x0];
	_ =	sdelay $0x2  }
0x45: {  	s31 =	sshll.u32 s1, $0xD;
	s1 =	sshrl.u32 s1, $0x2  }
0x46: {  	s4 =	sand.u32 $0x4000, s31;
	s1 =	sadd.s32 s1, s30  }
0x47: {  	s0 =	sor.u32 s4, s0;
	s1 =	sshll.u32 s1, $0x11  }
0x48: {  	s0 =	sor.u32 s1, s0  }
0x49: {  	s0 =	sadd.s32 $0x8F2B, s0  }
0x4a: {  	[sflag:s0] =	ssyncadd.remote.s32 $0x1  }
0x4b: {  	_ =	sfence.sel $0xFFFF  }
0x4c: {  	[dreg:$0x0] =	wrdreg $0xFFFFFFFF;
	(pc) =	sbr.abs _section_cstart, $3  }
0x4d: {  	[dreg:$0x1] =	wrdreg $0xFFFFFFFF  }
0x4e: {  	_ =	task.clear_ibuf [dreg:s23], $0x2FFFF;
	_ =	strace $0x9FFFFFFF  }
0x4f: {  	(tm) =	ssettm $0x7FFFFFFF  }
tec
execute0_lowered:
.L_overlay_start_1:
0x0: {  	(tag) =	ssettag $0x1  }
0x1: {  	s0 =	srdreg.scid  }
0x2: {  	s1 =	sshll.u32 s0, $0x4  }
0x3: {  	s0 =	stileid.u32;
	s1 =	sand.u32 $0x10, s1  }
0x4: {  	s1 =	sor.u32 s0, s1  }
0x5: {  	s6 =	rddreg [dreg:$0x0];
	s4 =	simm.s32 $0x1;
	s2 =	sshll.u32 s1, $0x7  }
0x6: {  	s7 =	simm.s32 $0x2;
	s12 =	simm.s32 $0x0;
	s1 =	ssub.s32 $0x1000, s2  }
0x7: {  	s8 =	simm.s32 $0x8000;
	s13 =	simm.s32 $0x0;
	s3 =	sand.u32 $0xF80, s1  }
0x8: {  	s9 =	simm.s32 $0x0;
	s5 =	sshrl.u32 s1, $0xC;
	p0 =	sne.s32 s3, $0x0  }
.Ltmp0:
0x9: {  	s1 =	rddreg [dreg:$0x2];
	s4 =	simm.s32 @!p0 $0x0;
	(pc) =	sbr.rel .LBB1_1-.Ltmp0, $4  }
0xa: {  	s11 =	simm.s32 $0x0;
	s3 =	rddreg [dreg:$0x1];
	s5 =	sadd.s32 s4, s5  }
0xb: {  	_ =	strace $0x8000004D;
	s4 =	simm.s32 $0x1;
	s5 =	smul.u32 $0x32, s5  }
0xc: {  	s6 =	sadd.s32 $0x381000, s6;
	s10 =	smov.u32 s2;
	[sflag:s4] =	ssyncpa.u1 $0x0  }
0xd: {  	p0 =	por $0x0, $0x0;
	[sflag:s7] =	ssyncpa.u1 $0x0;
	s7 =	sor.u32 $0x1, s5  }
.LBB1_4:
0xe: {  	s16 =	sshll.u32 s13, $0x3;
	s17 =	sand.u32 $0x78, s13  }
0xf: {  	s30 =	sand.u32 $0x7E00, s13;
	s12 =	sshll.u32 s12, $0xF;
	s16 =	sand.u32 $0xC00, s16  }
0x10: {  	[tilespmem:s15+$0x810 ss:$0x81] =	vst.msk $0xffff, v2;
	s31 =	sand.u32 $0x7, s13;
	s16 =	sor.u32 s17, s16;
	s17 =	sadd.s32 s3, s30  }
0x11: {  	[tilespmem:s15+$0x1020 ss:$0x81] =	vst.msk $0xffff, v0;
	s13 =	sshll.u32 s31, $0x12;
	s12 =	sadd.s32 s12, s17;
	s16 =	sshrl.u32 s16, $0x3  }
0x12: {  	[tilespmem:s15+$0x0 ss:$0x81] =	vst.msk $0xffff, v1;
	s13 =	sor.u32 $0x400, s13;
	s12 =	sadd.s32 s16, s12  }
0x13: {  	[hbm4b:s12+s13] =	stream.strided.scatter [tilespmem:s14], [sflag:$0x2], $0x2000, s8, s13, $0x20;
	[tilespmem:$0x8080] =	vst v63  }
.LBB1_5:
0x14: {  	s14 =	sadd.s32 $0x1, s9  }
0x15: {  	s12 =	sadd.s32 $0x1000, s10;
	s16 =	smov.u32 s10;
	p2 =	sgt.s32 s14, $0x31  }
0x16: {  	s16 =	smov.u32 @p2 s12  }
0x17: {  	s14 =	simm.s32 @p2 $0x0;
	p2 =	sgt.s32 s16, $0xFFF  }
0x18: {  	s16 =	smov.u32 @p2 s2;
	p2 =	sne.s32 s11, s7  }
.Ltmp1:
0x19: {  	p1 =	slt.u32 s11, $0x2;
	(pc) =	sbr.rel @!p2 .LBB1_6-.Ltmp1, $4  }
0x1a: {  	s15 =	simm.s32 @!p1 $0x2  }
0x1b: {  	s13 =	smov.u32 s10;
	p0 =	por !p0, !p0;
	_ =	swait.ge @!p1 [sflag:s15], $0x2000  }
0x1c: {  	s12 =	smov.u32 s9;
	[sflag:s15] =	ssyncset.done @!p1 $0x0;
	s9 =	smov.u32 s14  }
0x1d: {  	s11 =	sadd.s32 $0x1, s11;
	[sflag:s15] =	ssyncadd.s32 @!p1 $0xFFFFE000;
	s10 =	smov.u32 s16  }
.LBB1_1:
0x1e: {  	p1 =	sge.u32 s11, s5  }
0x1f: {  	s14 =	sand.u32 @!p1 $0x1FFFFFF, s9  }
0x20: {  	s15 =	smulhi.u32 @!p1 $0x4924925, s14;
	_ =	sdelay $0x1  }
0x21: {  	s15 =	smul.u32 @!p1 $0x38, s15  }
0x22: {  	s16 =	sxor.u32 @!p1 $0xFFFFFFFF, s11;
	s17 =	smul.u32 @!p1 $0x380, s10  }
0x23: {  	s31 =	sadd.s32 $0xFFFFFFFF, s11;
	s16 =	sshll.u32 @!p1 s16, $0xD;
	s14 =	ssub.s32 @!p1 s14, s15  }
0x24: {  	s15 =	sand.u32 @!p1 $0x2000, s16;
	s16 =	sadd.s32 @!p1 s6, s17;
	s14 =	sshll.u32 @!p1 s14, $0x4  }
0x25: {  	s17 =	simm.s32 @!p1 $0x1C00;
	s14 =	sadd.s32 @!p1 s14, s16;
	s16 =	simm.s32 @!p1 $0x40  }
0x26: {  	[tilespmem:s15], [sflag:$0x1] =	stream.strided.gather @!p1 [hbm4b:s14+s16], $0x2000, s17, s16, $0x38;
	[tilespmem:$0x8080] =	vst v63  }
0x27: {  	p1 =	sge.u32 s31, s5  }
.Ltmp2:
0x28: {  	_ = 	snop;
	(pc) =	sbr.rel @p1 .LBB1_5-.Ltmp2, $1  }
0x29: {  	_ =	sdelay $0x3  }
0x2a: {  	s14 =	simm.s32 $0x1  }
0x2b: {  	_ =	swait.ge [sflag:s4], $0x2000;
	s14 =	simm.s32 @!p0 $0x0  }
0x2c: {  	[sflag:s4] =	ssyncset.done $0x0;
	s15 =	sshll.u32 s14, $0xD  }
0x2d: {  	[sflag:s4] =	ssyncadd.s32 $0xFFFFE000;
	s18 =	sor.u32 $0x20, s15  }
0x2e: {  	s14 =	smul.u32 $0x8100, s14;
	v3 =	vld [tilespmem:s18+$0x10]  }
0x2f: {  	s30 =	sand.u32 $0x1, s11;
	v2 =	vld [tilespmem:s18+$0xFFFFFFF0]  }
0x30: {  	s15 =	smul.u32 $0x8100, s30;
	s14 =	sshrl.u32 s14, $0x2;
	v0 =	vld [tilespmem:s18+$0x0]  }
0x31: {  	v1 =	vld [tilespmem:s18+$0xFFFFFFE0];
	s16 =	sor.u32 $0x4000, s14  }
0x32: {  	s31 =	sshrl.u32 s15, $0x2;
	s15 =	sadd.s32 $0x0, s16  }
0x33: {  	s17 =	simm.s32 $0x4;
	s18 =	sadd.s32 $0x40, s18;
	s14 =	sor.u32 $0x4000, s31;
	[tilespmem:s15+$0x1830 ss:$0x81] =	vst.msk $0xffff, v3  }
.LBB1_3:
0x34: {  	v3 =	vld [tilespmem:s18+$0x10];
	p1 =	sne.s32 s17, $0x1FC;
	[tilespmem:s15+$0x810 ss:$0x81] =	vst.msk $0xffff, v2;
	s19 =	smov.u32 s17;
	s17 =	sadd.s32 $0x4, s17  }
.Ltmp3:
0x35: {  	v2 =	vld [tilespmem:s18+$0xFFFFFFF0];
	[tilespmem:s15+$0x1020 ss:$0x81] =	vst.msk $0xffff, v0;
	(pc) =	sbr.rel @p1 .LBB1_3-.Ltmp3, $4  }
0x36: {  	v0 =	vld [tilespmem:s18+$0x0];
	[tilespmem:s15+$0x0 ss:$0x81] =	vst.msk $0xffff, v1  }
0x37: {  	s15 =	sshra.s32 s19, $0x2;
	v1 =	vld [tilespmem:s18+$0xFFFFFFE0]  }
0x38: {  	s15 =	sadd.s32 s15, s16  }
0x39: {  	s18 =	sadd.s32 $0x40, s18;
	[tilespmem:s15+$0x1830 ss:$0x81] =	vst.msk $0xffff, v3  }
.Ltmp4:
0x3a: {  	_ = 	snop;
	(pc) =	sbr.rel .LBB1_4-.Ltmp4, $1  }
0x3b: {  	_ =	sdelay $0x3  }
.LBB1_6:
0x3c: {  	_ =	sfence.sel $0x180000  }
0x3d: {  	s2 =	simm.s32 $0x1;
	[bflag:$0x0] =	sbarrier.arrive $0xFFFF  }
0x3e: {  	s31 =	simm.s32 $0x2;
	[sflag:s2] =	ssyncpa.u1 $0x1  }
0x3f: {  	[sflag:s31] =	ssyncpa.u1 $0x1  }
0x40: {  	p0 =	sne.s32 s0, $0x0;
	_ =	strace $0x9000004D  }
0x41: {  	s0 =	sadd.s32 @!p0 $0x100000, s1;
	[bflag:$0x2] =	sbarrier.arrive $0xFFFF  }
0x42: {  	[sflag:s0] =	ssyncadd.tile.s32 @!p0 $0x1;
	_ =	shalt  }
.Lfunc_end1:
_tile_overlayer_lowered:
.L_overlay_start_2:
0x43: {  	(tag) =	ssettag $0x2  }
0x44: {  	s0 =	rddreg [dreg:$0x0];
	s2 =	stileid.u32  }
0x45: {  	s1 =	rddreg [dreg:$0x1];
	p0 =	sne.s32 s2, $0x0  }
0x46: {  	s3 =	rddreg [dreg:$0x2];
	[bflag:$0x3] =	sbarrier.arrive $0xFFFF;
	s2 =	simm.s32 @!p0 $0x1C01  }
0x47: {  	[timem:s3], [sflag:s2] =	dma.local @!p0 [hbm:s0], s1  }
0x48: {  	s0 =	simm.s32 @!p0 $0x1  }
0x49: {  	_ =	swait.ge @!p0 [sflag:s0], s1  }
0x4a: {  	s1 =	ssub.s32 @!p0 $0x0, s1;
	[sflag:s0] =	ssyncset.done @!p0 $0x0  }
0x4b: {  	[sflag:s0] =	ssyncadd.s32 @!p0 s1  }
0x4c: {  	[bflag:$0x3] =	sbarrier.arrive $0xFFFF  }
0x4d: {  	_ =	shalt  }

// kernel: sparse-core-data-format-call.cloned.1.call-start
scs
called_computation_lowered:
.L_overlay_start_0:
0x0: {  	s2 =	sld [smem:$0x3FD9]  }
0x1: {  	s3 =	sld [smem:$0x3FFE];
	_ =	sdelay $0x1  }
0x2: {  	s1 =	srdreg.scid  }
0x3: {  	s0 =	sand.u32 $0x1, s1  }
0x4: {  	s15 =	sshll.u32 s0, $0xA;
	s2 =	sadd.s32 s3, s2  }
0x5: {  	s2 =	sadd.s32 s2, s15  }
0x6: {  	[smem:$0x3FC4] =	sst s2  }
0x7: {  	_ = 	snop  }
0x8: {  	s2 =	sld [smem:$0x3FD0];
	_ =	sdelay $0x2  }
0x9: {  	s16 =	simm.s32 $0xB;
	s4 =	simm.s32 $0x10  }
0xa: {  	[smem:s4], [sflag:s16] =	dma.local [hbm:s2], $0x1  }
0xb: {  	_ =	swait.eq [sflag:s16], $0x1  }
0xc: {  	[sflag:s16] =	ssyncset.done $0x0  }
0xd: {  	[sflag:s16] =	ssyncadd.s32 $0xFFFFFFFF  }
0xe: {  	s17 =	sld [smem:$0x11];
	(tm) =	ssettm $0x1  }
0xf: {  	s18 =	sld [smem:$0x3FFB];
	_ =	sdelay $0x3  }
0x10: {  	_ =	strace s18  }
0x11: {  	s3 =	sld [smem:$0x3FFC];
	_ =	sdelay $0x3  }
0x12: {  	_ =	strace s3  }
0x13: {  	s3 =	sld [smem:$0x3FFD];
	_ =	sdelay $0x3  }
0x14: {  	_ =	strace s3  }
0x15: {  	_ =	strace $0x8FFFFFFF  }
0x16: {  	s19 =	sld [smem:$0x3FDB];
	_ =	sdelay $0x1  }
0x17: {  	s20 =	simm.s32 $_scs_section_size  }
0x18: {  	s5 =	simm.s32 $_size__tile_overlayer_lowered;
	s6 =	simm.s32 $_tile_overlayer_lowered  }
0x19: {  	s23 =	simm.s32 $0x1BFF;
	s22 =	sshll.u32 s6, $0x1;
	s3 =	sadd.s32 s20, s19  }
0x1a: {  	s7 =	simm.s32 $0x0;
	s21 =	sshll.u32 s5, $0x1;
	s5 =	sadd.s32 s22, s3  }
0x1b: {  	[timem:s7], [sflag:s23] =	dma.local [hbm:s5], s21  }
0x1c: {  	_ =	swait.ge [sflag:s23], s21  }
0x1d: {  	s4 =	ssub.s32 $0x0, s21;
	[sflag:s23] =	ssyncset.done $0x0  }
0x1e: {  	[sflag:s23] =	ssyncadd.s32 s4;
	_ =	sdelay $0x1  }
0x1f: {  	s24 =	simm.s32 $0x1B8B  }
0x20: {  	_ =	swait.ge [sflag:s24], $0x1  }
0x21: {  	[sflag:s24] =	ssyncset.done $0x0  }
0x22: {  	s26 =	simm.s32 $0x1B8E;
	s25 =	sld [smem:$0x3FFE];
	[sflag:s24] =	ssyncadd.s32 $0xFFFFFFFF  }
0x23: {  	s27 =	simm.s32 $execute0_lowered;
	[smem:$0x3FD2] =	sst s26  }
0x24: {  	s5 =	sshll.u32 s27, $0x1;
	_ =	strace $0x80000049;
	[dreg:$0x1] =	wrdreg $0xFFFFFFFF  }
0x25: {  	s28 =	simm.s32 $_size_execute0_lowered;
	s3 =	sadd.s32 s3, s5;
	[dreg:$0x0] =	wrdreg $0x0  }
0x26: {  	s5 =	sshll.u32 s28, $0x1;
	[dreg:$0x2] =	wrdreg s3  }
0x27: {  	[dreg:$0x3] =	wrdreg s5  }
0x28: {  	[dreg:$0x4] =	wrdreg $0xC0  }
0x29: {  	_ =	task [dreg:s7], $0x5FFFF  }
0x2a: {  	[dreg:$0x1] =	wrdreg $0xFFFFFFFF  }
0x2b: {  	[dreg:$0x0] =	wrdreg $0x60  }
0x2c: {  	[dreg:$0x2] =	wrdreg s25  }
0x2d: {  	[dreg:$0x3] =	wrdreg s17  }
0x2e: {  	[dreg:$0x4] =	wrdreg $0x9  }
0x2f: {  	_ =	task.clear_ibuf [dreg:s7], $0x5FFFF;
	_ =	strace $0x90000049  }
0x30: {  	s29 =	simm.s32 $0x9;
	_ =	strace $0x8000004B  }
0x31: {  	_ =	swait.ge [sflag:s29], $0x1  }
0x32: {  	[sflag:s29] =	ssyncadd.s32 $0xFFFFFFFF  }
0x33: {  	_ =	strace $0x9000004B  }
0x34: {  	_ =	sfence  }
0x35: {  	s30 =	sld [smem:$0x0];
	_ =	sdelay $0x2  }
0x36: {  	s31 =	sshll.u32 s1, $0xD;
	s1 =	sshrl.u32 s1, $0x2  }
0x37: {  	s3 =	sand.u32 $0x4000, s31;
	s1 =	sadd.s32 s1, s30  }
0x38: {  	s0 =	sor.u32 s3, s0;
	s1 =	sshll.u32 s1, $0x11  }
0x39: {  	s0 =	sor.u32 s1, s0  }
0x3a: {  	s0 =	sadd.s32 $0x8F2B, s0  }
0x3b: {  	[sflag:s0] =	ssyncadd.remote.s32 $0x1  }
0x3c: {  	_ =	sfence.sel $0xFFFF  }
0x3d: {  	[dreg:$0x0] =	wrdreg $0xFFFFFFFF;
	(pc) =	sbr.abs _section_cstart, $3  }
0x3e: {  	[dreg:$0x1] =	wrdreg $0xFFFFFFFF  }
0x3f: {  	_ =	task.clear_ibuf [dreg:s7], $0x2FFFF;
	_ =	strace $0x9FFFFFFF  }
0x40: {  	(tm) =	ssettm $0x7FFFFFFF  }
0x41: {  	_ =	shalt  }
tec
execute0_lowered:
.L_overlay_start_1:
0x0: {  	(tag) =	ssettag $0x1  }
0x1: {  	s0 =	srdreg.scid  }
0x2: {  	s1 =	sshll.u32 s0, $0x4  }
0x3: {  	s0 =	stileid.u32;
	s1 =	sand.u32 $0x10, s1  }
0x4: {  	s1 =	sor.u32 s0, s1  }
0x5: {  	s6 =	rddreg [dreg:$0x0];
	s4 =	simm.s32 $0x1;
	s2 =	sshll.u32 s1, $0x7  }
0x6: {  	s7 =	simm.s32 $0x2;
	s12 =	simm.s32 $0x0;
	s1 =	ssub.s32 $0x1000, s2  }
0x7: {  	s8 =	simm.s32 $0x8000;
	s13 =	simm.s32 $0x0;
	s3 =	sand.u32 $0xF80, s1  }
0x8: {  	s9 =	simm.s32 $0x0;
	s5 =	sshrl.u32 s1, $0xC;
	p0 =	sne.s32 s3, $0x0  }
.Ltmp0:
0x9: {  	s1 =	rddreg [dreg:$0x2];
	s4 =	simm.s32 @!p0 $0x0;
	(pc) =	sbr.rel .LBB1_1-.Ltmp0, $4  }
0xa: {  	s11 =	simm.s32 $0x0;
	s3 =	rddreg [dreg:$0x1];
	s5 =	sadd.s32 s4, s5  }
0xb: {  	_ =	strace $0x8000004A;
	s4 =	simm.s32 $0x1;
	s5 =	smul.u32 $0x32, s5  }
0xc: {  	s6 =	sadd.s32 $0x1000, s6;
	s10 =	smov.u32 s2;
	[sflag:s4] =	ssyncpa.u1 $0x0  }
0xd: {  	p0 =	por $0x0, $0x0;
	[sflag:s7] =	ssyncpa.u1 $0x0;
	s7 =	sor.u32 $0x1, s5  }
.LBB1_4:
0xe: {  	s16 =	sshll.u32 s13, $0x3;
	s17 =	sand.u32 $0x78, s13  }
0xf: {  	s30 =	sand.u32 $0x7E00, s13;
	s12 =	sshll.u32 s12, $0xF;
	s16 =	sand.u32 $0xC00, s16  }
0x10: {  	[tilespmem:s15+$0x810 ss:$0x81] =	vst.msk $0xffff, v2;
	s31 =	sand.u32 $0x7, s13;
	s16 =	sor.u32 s17, s16;
	s17 =	sadd.s32 s3, s30  }
0x11: {  	[tilespmem:s15+$0x1020 ss:$0x81] =	vst.msk $0xffff, v0;
	s13 =	sshll.u32 s31, $0x12;
	s12 =	sadd.s32 s12, s17;
	s16 =	sshrl.u32 s16, $0x3  }
0x12: {  	[tilespmem:s15+$0x0 ss:$0x81] =	vst.msk $0xffff, v1;
	s13 =	sor.u32 $0x400, s13;
	s12 =	sadd.s32 s16, s12  }
0x13: {  	[hbm4b:s12+s13] =	stream.strided.scatter [tilespmem:s14], [sflag:$0x2], $0x2000, s8, s13, $0x20;
	[tilespmem:$0x8080] =	vst v63  }
.LBB1_5:
0x14: {  	s14 =	sadd.s32 $0x1, s9  }
0x15: {  	s12 =	sadd.s32 $0x1000, s10;
	s16 =	smov.u32 s10;
	p2 =	sgt.s32 s14, $0x31  }
0x16: {  	s16 =	smov.u32 @p2 s12  }
0x17: {  	s14 =	simm.s32 @p2 $0x0;
	p2 =	sgt.s32 s16, $0xFFF  }
0x18: {  	s16 =	smov.u32 @p2 s2;
	p2 =	sne.s32 s11, s7  }
.Ltmp1:
0x19: {  	p1 =	slt.u32 s11, $0x2;
	(pc) =	sbr.rel @!p2 .LBB1_6-.Ltmp1, $4  }
0x1a: {  	s15 =	simm.s32 @!p1 $0x2  }
0x1b: {  	s13 =	smov.u32 s10;
	p0 =	por !p0, !p0;
	_ =	swait.ge @!p1 [sflag:s15], $0x2000  }
0x1c: {  	s12 =	smov.u32 s9;
	[sflag:s15] =	ssyncset.done @!p1 $0x0;
	s9 =	smov.u32 s14  }
0x1d: {  	s11 =	sadd.s32 $0x1, s11;
	[sflag:s15] =	ssyncadd.s32 @!p1 $0xFFFFE000;
	s10 =	smov.u32 s16  }
.LBB1_1:
0x1e: {  	p1 =	sge.u32 s11, s5  }
0x1f: {  	s14 =	sand.u32 @!p1 $0x1FFFFFF, s9  }
0x20: {  	s15 =	smulhi.u32 @!p1 $0x4924925, s14;
	_ =	sdelay $0x1  }
0x21: {  	s15 =	smul.u32 @!p1 $0x38, s15  }
0x22: {  	s16 =	sxor.u32 @!p1 $0xFFFFFFFF, s11;
	s17 =	smul.u32 @!p1 $0x380, s10  }
0x23: {  	s31 =	sadd.s32 $0xFFFFFFFF, s11;
	s16 =	sshll.u32 @!p1 s16, $0xD;
	s14 =	ssub.s32 @!p1 s14, s15  }
0x24: {  	s15 =	sand.u32 @!p1 $0x2000, s16;
	s16 =	sadd.s32 @!p1 s6, s17;
	s14 =	sshll.u32 @!p1 s14, $0x4  }
0x25: {  	s17 =	simm.s32 @!p1 $0x1C00;
	s14 =	sadd.s32 @!p1 s14, s16;
	s16 =	simm.s32 @!p1 $0x40  }
0x26: {  	[tilespmem:s15], [sflag:$0x1] =	stream.strided.gather @!p1 [hbm4b:s14+s16], $0x2000, s17, s16, $0x38;
	[tilespmem:$0x8080] =	vst v63  }
0x27: {  	p1 =	sge.u32 s31, s5  }
.Ltmp2:
0x28: {  	_ = 	snop;
	(pc) =	sbr.rel @p1 .LBB1_5-.Ltmp2, $1  }
0x29: {  	_ =	sdelay $0x3  }
0x2a: {  	s14 =	simm.s32 $0x1  }
0x2b: {  	_ =	swait.ge [sflag:s4], $0x2000;
	s14 =	simm.s32 @!p0 $0x0  }
0x2c: {  	[sflag:s4] =	ssyncset.done $0x0;
	s15 =	sshll.u32 s14, $0xD  }
0x2d: {  	[sflag:s4] =	ssyncadd.s32 $0xFFFFE000;
	s18 =	sor.u32 $0x20, s15  }
0x2e: {  	s14 =	smul.u32 $0x8100, s14;
	v3 =	vld [tilespmem:s18+$0x10]  }
0x2f: {  	s30 =	sand.u32 $0x1, s11;
	v2 =	vld [tilespmem:s18+$0xFFFFFFF0]  }
0x30: {  	s15 =	smul.u32 $0x8100, s30;
	s14 =	sshrl.u32 s14, $0x2;
	v0 =	vld [tilespmem:s18+$0x0]  }
0x31: {  	v1 =	vld [tilespmem:s18+$0xFFFFFFE0];
	s16 =	sor.u32 $0x4000, s14  }
0x32: {  	s31 =	sshrl.u32 s15, $0x2;
	s15 =	sadd.s32 $0x0, s16  }
0x33: {  	s17 =	simm.s32 $0x4;
	s18 =	sadd.s32 $0x40, s18;
	s14 =	sor.u32 $0x4000, s31;
	[tilespmem:s15+$0x1830 ss:$0x81] =	vst.msk $0xffff, v3  }
.LBB1_3:
0x34: {  	v3 =	vld [tilespmem:s18+$0x10];
	p1 =	sne.s32 s17, $0x1FC;
	[tilespmem:s15+$0x810 ss:$0x81] =	vst.msk $0xffff, v2;
	s19 =	smov.u32 s17;
	s17 =	sadd.s32 $0x4, s17  }
.Ltmp3:
0x35: {  	v2 =	vld [tilespmem:s18+$0xFFFFFFF0];
	[tilespmem:s15+$0x1020 ss:$0x81] =	vst.msk $0xffff, v0;
	(pc) =	sbr.rel @p1 .LBB1_3-.Ltmp3, $4  }
0x36: {  	v0 =	vld [tilespmem:s18+$0x0];
	[tilespmem:s15+$0x0 ss:$0x81] =	vst.msk $0xffff, v1  }
0x37: {  	s15 =	sshra.s32 s19, $0x2;
	v1 =	vld [tilespmem:s18+$0xFFFFFFE0]  }
0x38: {  	s15 =	sadd.s32 s15, s16  }
0x39: {  	s18 =	sadd.s32 $0x40, s18;
	[tilespmem:s15+$0x1830 ss:$0x81] =	vst.msk $0xffff, v3  }
.Ltmp4:
0x3a: {  	_ = 	snop;
	(pc) =	sbr.rel .LBB1_4-.Ltmp4, $1  }
0x3b: {  	_ =	sdelay $0x3  }
.LBB1_6:
0x3c: {  	_ =	sfence.sel $0x180000  }
0x3d: {  	s2 =	simm.s32 $0x1;
	[bflag:$0x0] =	sbarrier.arrive $0xFFFF  }
0x3e: {  	s31 =	simm.s32 $0x2;
	[sflag:s2] =	ssyncpa.u1 $0x1  }
0x3f: {  	[sflag:s31] =	ssyncpa.u1 $0x1  }
0x40: {  	p0 =	sne.s32 s0, $0x0;
	_ =	strace $0x9000004A  }
0x41: {  	s0 =	sadd.s32 @!p0 $0x100000, s1;
	[bflag:$0x2] =	sbarrier.arrive $0xFFFF  }
0x42: {  	[sflag:s0] =	ssyncadd.tile.s32 @!p0 $0x1;
	_ =	shalt  }
.Lfunc_end1:
_tile_overlayer_lowered:
.L_overlay_start_2:
0x43: {  	(tag) =	ssettag $0x2  }
0x44: {  	s0 =	rddreg [dreg:$0x0];
	s2 =	stileid.u32  }
0x45: {  	s1 =	rddreg [dreg:$0x1];
	p0 =	sne.s32 s2, $0x0  }
0x46: {  	s3 =	rddreg [dreg:$0x2];
	[bflag:$0x3] =	sbarrier.arrive $0xFFFF;
	s2 =	simm.s32 @!p0 $0x1C01  }
0x47: {  	[timem:s3], [sflag:s2] =	dma.local @!p0 [hbm:s0], s1  }
0x48: {  	s0 =	simm.s32 @!p0 $0x1  }
0x49: {  	_ =	swait.ge @!p0 [sflag:s0], s1  }
0x4a: {  	s1 =	ssub.s32 @!p0 $0x0, s1;
	[sflag:s0] =	ssyncset.done @!p0 $0x0  }
0x4b: {  	[sflag:s0] =	ssyncadd.s32 @!p0 s1  }
0x4c: {  	[bflag:$0x3] =	sbarrier.arrive $0xFFFF  }
0x4d: {  	_ =	shalt  }

</sc_bundles>
